<compile_context>
chip_gen: v7x
topology: tpu7x:2x2x1
jax: 0.10.2.dev20260603
libtpu: 0.0.44.dev20260713+nightly
codegen_flags: <defaults>
</compile_context>

<pallas_src>
import functools

import jax
import jax.numpy as jnp
from jax.experimental import pallas as pl

_T = 512
_C = 96


_G = 4


def _tome_body(cls_ref, x_ref, out_ref):
    for g in range(_G):
        xb = x_ref[g, 0]
        xa = x_ref[g, 1]
        na = xa * jax.lax.rsqrt(jnp.sum(xa * xa, axis=-1, keepdims=True))
        nb = xb * jax.lax.rsqrt(jnp.sum(xb * xb, axis=-1, keepdims=True))
        scores = jax.lax.dot_general(
            na, nb, (((1,), (1,)), ((), ())), preferred_element_type=jnp.float32
        )
        mx = jnp.max(scores, axis=-1, keepdims=True)
        onehot = (scores == mx).astype(jnp.bfloat16)
        xa1 = jnp.concatenate([xa, jnp.ones((_T, 1), jnp.float32)], axis=1).astype(jnp.bfloat16)
        acc1 = jax.lax.dot_general(
            onehot, xa1, (((0,), (0,)), ((), ())),
            preferred_element_type=jnp.float32,
        )
        acc = acc1[:, :_C]
        cnt = acc1[:, _C:]
        out_ref[g, 0:1, :] = cls_ref[g]
        out_ref[g, 1:, :] = (xb + acc) * (1.0 / (1.0 + cnt))


@functools.partial(jax.jit, static_argnames=("interpret",))
def kernel(hidden_states, interpret=False):
    B, T, C = hidden_states.shape
    t = (T - 1) // 2
    cls = hidden_states[:, :1]
    nc = 2
    bc = B // nc
    outs = []
    for c in range(nc):
        hc = hidden_states[c * bc:(c + 1) * bc]
        xab = hc[:, 1:].reshape(bc, t, 2, C).transpose(0, 2, 1, 3)
        outs.append(
            pl.pallas_call(
                _tome_body,
                grid=(bc // _G,),
                in_specs=[
                    pl.BlockSpec((_G, 1, C), lambda i: (i, 0, 0)),
                    pl.BlockSpec((_G, 2, t, C), lambda i: (i, 0, 0, 0)),
                ],
                out_specs=pl.BlockSpec((_G, t + 1, C), lambda i: (i, 0, 0)),
                out_shape=jax.ShapeDtypeStruct((bc, t + 1, C), hidden_states.dtype),
                interpret=interpret,
            )(cls[c * bc:(c + 1) * bc], xab)
        )
    return jnp.concatenate(outs, axis=0)

# --- scband reference (transcript-rebuilt; emitter-appended) ---
"""Pipeline reference for scband-to-me-block-26001732010505 (READ-ONLY COPY).

The authoritative reference and input builder live on the scoring server;
editing this copy changes nothing except your own understanding.
"""

import jax, jax.numpy as jnp
import numpy as np

R_FRAC = 0.5

def _matching(metric):
    B, t, c = metric.shape
    protected = 1  # class_token=True, distill_token=False
    r = min(int(R_FRAC * t), (t - protected) // 2)
    m = metric / jnp.linalg.norm(metric, axis=-1, keepdims=True)
    a = m[:, ::2, :]
    b = m[:, 1::2, :]
    scores = jnp.einsum('btc,bsc->bts', a, b)
    # protect class token (it sits at position 0 of the even set)
    scores = scores.at[:, 0, :].set(-jnp.inf)
    node_max = jnp.max(scores, axis=-1)
    node_idx = jnp.argmax(scores, axis=-1)
    # descending argsort of node_max
    edge_idx = jnp.argsort(-node_max, axis=-1)
    unm_idx = edge_idx[:, r:]
    src_idx = edge_idx[:, :r]
    dst_idx = jnp.take_along_axis(node_idx, src_idx, axis=-1)
    # sort so the class token stays at the front of the unmerged set
    unm_idx = jnp.sort(unm_idx, axis=1)
    return unm_idx, src_idx, dst_idx

def _merge_sum(x, unm_idx, src_idx, dst_idx):
    src = x[:, ::2, :]
    dst = x[:, 1::2, :]
    unm = jnp.take_along_axis(src, unm_idx[:, :, None], axis=1)
    src_g = jnp.take_along_axis(src, src_idx[:, :, None], axis=1)
    dst = jax.vmap(lambda d, i, s: d.at[i].add(s))(dst, dst_idx, src_g)
    return jnp.concatenate([unm, dst], axis=1)

def _forward(hidden_states):
    unm_idx, src_idx, dst_idx = _matching(hidden_states)
    # merge_wavg with size=None -> size = ones
    size = jnp.ones_like(hidden_states[..., :1])
    x_m = _merge_sum(hidden_states * size, unm_idx, src_idx, dst_idx)
    size_m = _merge_sum(size, unm_idx, src_idx, dst_idx)
    return x_m / size_m

def setup_inputs(seed: int = 0) -> dict:
    key = jax.random.key(seed)
    hidden_states = jax.random.normal(key, (256, 1025, 96), dtype=jnp.float32)
    return {"hidden_states": hidden_states}

def reference(hidden_states):
    return _forward(hidden_states)

if __name__ == "__main__":
    import jax
    _d = setup_inputs()
    print(jax.jit(kernel)(*tuple(_d.values())))

</pallas_src>

<mosaic_0001>
module attributes {stable_mosaic.version = 14 : i64} {
  func.func @_tome_body(%arg0: i32, %arg1: memref<4x1x96xf32, #tpu.memory_space<vmem>>, %arg2: memref<4x2x512x96xf32, #tpu.memory_space<vmem>>, %arg3: memref<4x513x96xf32, #tpu.memory_space<vmem>>) attributes {dimension_semantics = [#tpu.dimension_semantics<arbitrary>], iteration_bounds = array<i64: 32>, scalar_prefetch = 0 : i64, scratch_operands = 0 : i64, tpu.core_type = #tpu.core_type<tc>, window_params = [{transform_indices = @transform_0, window_bounds = array<i64: 4, 1, 96>}, {transform_indices = @transform_1, window_bounds = array<i64: 4, 2, 512, 96>}, {transform_indices = @transform_2, window_bounds = array<i64: 4, 513, 96>}]} {
    %get3A = arith.constant 0 : index
    %get3A_0 = arith.constant 0 : index
    %get3A_1 = arith.constant 0 : index
    %get3A_2 = arith.constant 0 : index
    %get3A_3 = vector.load %arg2[%get3A, %get3A_0, %get3A_1, %get3A_2] : memref<4x2x512x96xf32, #tpu.memory_space<vmem>>, vector<1x1x512x96xf32>
    %get3A_4 = vector.shape_cast %get3A_3 : vector<1x1x512x96xf32> to vector<512x96xf32>
    %get3A_5 = arith.constant 0 : index
    %get3A_6 = arith.constant 1 : index
    %get3A_7 = arith.constant 0 : index
    %get3A_8 = arith.constant 0 : index
    %get3A_9 = vector.load %arg2[%get3A_5, %get3A_6, %get3A_7, %get3A_8] : memref<4x2x512x96xf32, #tpu.memory_space<vmem>>, vector<1x1x512x96xf32>
    %get3A_10 = vector.shape_cast %get3A_9 : vector<1x1x512x96xf32> to vector<512x96xf32>
    %mul3A = arith.mulf %get3A_10, %get3A_10 : vector<512x96xf32>
    %reduce_sum3A = arith.constant dense<0.000000e+00> : vector<512xf32>
    %reduce_sum3A_11 = vector.multi_reduction <add>, %mul3A, %reduce_sum3A [1] : vector<512x96xf32> to vector<512xf32>
    %broadcast_in_dim3A = vector.shape_cast %reduce_sum3A_11 : vector<512xf32> to vector<512x1xf32>
    %rsqrt3A = math.rsqrt %broadcast_in_dim3A : vector<512x1xf32>
    %mul3A_12 = vector.broadcast %rsqrt3A : vector<512x1xf32> to vector<512x96xf32>
    %mul3A_13 = arith.mulf %get3A_10, %mul3A_12 : vector<512x96xf32>
    %mul3A_14 = arith.mulf %get3A_4, %get3A_4 : vector<512x96xf32>
    %reduce_sum3A_15 = arith.constant dense<0.000000e+00> : vector<512xf32>
    %reduce_sum3A_16 = vector.multi_reduction <add>, %mul3A_14, %reduce_sum3A_15 [1] : vector<512x96xf32> to vector<512xf32>
    %broadcast_in_dim3A_17 = vector.shape_cast %reduce_sum3A_16 : vector<512xf32> to vector<512x1xf32>
    %rsqrt3A_18 = math.rsqrt %broadcast_in_dim3A_17 : vector<512x1xf32>
    %mul3A_19 = vector.broadcast %rsqrt3A_18 : vector<512x1xf32> to vector<512x96xf32>
    %mul3A_20 = arith.mulf %get3A_4, %mul3A_19 : vector<512x96xf32>
    %dot_general3A = arith.constant dense<0.000000e+00> : vector<512x512xf32>
    %dot_general3A_21 = tpu.matmul %mul3A_13, %mul3A_20, %dot_general3A {dimension_numbers = #tpu.dot_dimension_numbers<[1], [1], [0], [0], [0, 0, 1, 0], [], []>, transpose_lhs_hint = false} : vector<512x96xf32>, vector<512x96xf32>, vector<512x512xf32> -> vector<512x512xf32>
    %reduce_max3A = arith.constant dense<0xFF800000> : vector<512xf32>
    %reduce_max3A_22 = vector.multi_reduction <maximumf>, %dot_general3A_21, %reduce_max3A [1] : vector<512x512xf32> to vector<512xf32>
    %broadcast_in_dim3A_23 = vector.shape_cast %reduce_max3A_22 : vector<512xf32> to vector<512x1xf32>
    %eq3A = vector.broadcast %broadcast_in_dim3A_23 : vector<512x1xf32> to vector<512x512xf32>
    %eq3A_24 = arith.cmpf oeq, %dot_general3A_21, %eq3A : vector<512x512xf32>
    %convert_element_type3A = arith.extui %eq3A_24 : vector<512x512xi1> to vector<512x512xi32>
    %convert_element_type3A_25 = arith.sitofp %convert_element_type3A : vector<512x512xi32> to vector<512x512xf32>
    %convert_element_type3A_26 = arith.truncf %convert_element_type3A_25 : vector<512x512xf32> to vector<512x512xbf16>
    %broadcast_in_dim3A_27 = arith.constant 1.000000e+00 : f32
    %broadcast_in_dim3A_28 = vector.broadcast %broadcast_in_dim3A_27 : f32 to vector<512x1xf32>
    %concatenate3A = tpu.concatenate %get3A_10, %broadcast_in_dim3A_28 in 1 : vector<512x96xf32>, vector<512x1xf32> -> vector<512x97xf32>
    %convert_element_type3A_29 = arith.truncf %concatenate3A : vector<512x97xf32> to vector<512x97xbf16>
    %dot_general3A_30 = arith.constant dense<0.000000e+00> : vector<512x97xf32>
    %dot_general3A_31 = tpu.matmul %convert_element_type3A_26, %convert_element_type3A_29, %dot_general3A_30 {dimension_numbers = #tpu.dot_dimension_numbers<[0], [0], [1], [1], [0, 1, 1, 1], [], []>, transpose_lhs_hint = false} : vector<512x512xbf16>, vector<512x97xbf16>, vector<512x97xf32> -> vector<512x97xf32>
    %slice3A = vector.extract_strided_slice %dot_general3A_31 {offsets = [0, 0], sizes = [512, 96], strides = [1, 1]} : vector<512x97xf32> to vector<512x96xf32>
    %slice3A_32 = vector.extract_strided_slice %dot_general3A_31 {offsets = [0, 96], sizes = [512, 1], strides = [1, 1]} : vector<512x97xf32> to vector<512x1xf32>
    %get3A_33 = arith.constant 0 : index
    %get3A_34 = arith.constant 0 : index
    %get3A_35 = arith.constant 0 : index
    %get3A_36 = vector.load %arg1[%get3A_33, %get3A_34, %get3A_35] : memref<4x1x96xf32, #tpu.memory_space<vmem>>, vector<1x1x96xf32>
    %get3A_37 = vector.shape_cast %get3A_36 : vector<1x1x96xf32> to vector<1x96xf32>
    %swap3A = arith.constant 0 : index
    %swap3A_38 = arith.constant 0 : index
    %swap3A_39 = arith.constant 0 : index
    %swap3A_40 = vector.load %arg3[%swap3A, %swap3A_38, %swap3A_39] : memref<4x513x96xf32, #tpu.memory_space<vmem>>, vector<1x1x96xf32>
    %swap3A_41 = vector.shape_cast %swap3A_40 : vector<1x1x96xf32> to vector<1x96xf32>
    %swap3A_42 = vector.shape_cast %get3A_37 : vector<1x96xf32> to vector<1x1x96xf32>
    tpu.vector_store %arg3[%swap3A, %swap3A_38, %swap3A_39], %swap3A_42 {strides = array<i32>} : memref<4x513x96xf32, #tpu.memory_space<vmem>>, vector<1x1x96xf32>,
    %add3A = arith.addf %get3A_4, %slice3A : vector<512x96xf32>
    %add3A_43 = arith.constant 1.000000e+00 : f32
    %add3A_44 = vector.broadcast %add3A_43 : f32 to vector<512x1xf32>
    %add3A_45 = arith.addf %add3A_44, %slice3A_32 : vector<512x1xf32>
    %div3A = arith.constant 1.000000e+00 : f32
    %div3A_46 = vector.broadcast %div3A : f32 to vector<512x1xf32>
    %div3A_47 = arith.divf %div3A_46, %add3A_45 : vector<512x1xf32>
    %mul3A_48 = vector.broadcast %div3A_47 : vector<512x1xf32> to vector<512x96xf32>
    %mul3A_49 = arith.mulf %add3A, %mul3A_48 : vector<512x96xf32>
    %swap3A_50 = arith.constant 0 : index
    %swap3A_51 = arith.constant 1 : index
    %swap3A_52 = arith.constant 0 : index
    %swap3A_53 = vector.load %arg3[%swap3A_50, %swap3A_51, %swap3A_52] : memref<4x513x96xf32, #tpu.memory_space<vmem>>, vector<1x512x96xf32>
    %swap3A_54 = vector.shape_cast %swap3A_53 : vector<1x512x96xf32> to vector<512x96xf32>
    %swap3A_55 = vector.shape_cast %mul3A_49 : vector<512x96xf32> to vector<1x512x96xf32>
    tpu.vector_store %arg3[%swap3A_50, %swap3A_51, %swap3A_52], %swap3A_55 {strides = array<i32>} : memref<4x513x96xf32, #tpu.memory_space<vmem>>, vector<1x512x96xf32>,
    %get3A_56 = arith.constant 1 : index
    %get3A_57 = arith.constant 0 : index
    %get3A_58 = arith.constant 0 : index
    %get3A_59 = arith.constant 0 : index
    %get3A_60 = vector.load %arg2[%get3A_56, %get3A_57, %get3A_58, %get3A_59] : memref<4x2x512x96xf32, #tpu.memory_space<vmem>>, vector<1x1x512x96xf32>
    %get3A_61 = vector.shape_cast %get3A_60 : vector<1x1x512x96xf32> to vector<512x96xf32>
    %get3A_62 = arith.constant 1 : index
    %get3A_63 = arith.constant 1 : index
    %get3A_64 = arith.constant 0 : index
    %get3A_65 = arith.constant 0 : index
    %get3A_66 = vector.load %arg2[%get3A_62, %get3A_63, %get3A_64, %get3A_65] : memref<4x2x512x96xf32, #tpu.memory_space<vmem>>, vector<1x1x512x96xf32>
    %get3A_67 = vector.shape_cast %get3A_66 : vector<1x1x512x96xf32> to vector<512x96xf32>
    %mul3A_68 = arith.mulf %get3A_67, %get3A_67 : vector<512x96xf32>
    %reduce_sum3A_69 = arith.constant dense<0.000000e+00> : vector<512xf32>
    %reduce_sum3A_70 = vector.multi_reduction <add>, %mul3A_68, %reduce_sum3A_69 [1] : vector<512x96xf32> to vector<512xf32>
    %broadcast_in_dim3A_71 = vector.shape_cast %reduce_sum3A_70 : vector<512xf32> to vector<512x1xf32>
    %rsqrt3A_72 = math.rsqrt %broadcast_in_dim3A_71 : vector<512x1xf32>
    %mul3A_73 = vector.broadcast %rsqrt3A_72 : vector<512x1xf32> to vector<512x96xf32>
    %mul3A_74 = arith.mulf %get3A_67, %mul3A_73 : vector<512x96xf32>
    %mul3A_75 = arith.mulf %get3A_61, %get3A_61 : vector<512x96xf32>
    %reduce_sum3A_76 = arith.constant dense<0.000000e+00> : vector<512xf32>
    %reduce_sum3A_77 = vector.multi_reduction <add>, %mul3A_75, %reduce_sum3A_76 [1] : vector<512x96xf32> to vector<512xf32>
    %broadcast_in_dim3A_78 = vector.shape_cast %reduce_sum3A_77 : vector<512xf32> to vector<512x1xf32>
    %rsqrt3A_79 = math.rsqrt %broadcast_in_dim3A_78 : vector<512x1xf32>
    %mul3A_80 = vector.broadcast %rsqrt3A_79 : vector<512x1xf32> to vector<512x96xf32>
    %mul3A_81 = arith.mulf %get3A_61, %mul3A_80 : vector<512x96xf32>
    %dot_general3A_82 = arith.constant dense<0.000000e+00> : vector<512x512xf32>
    %dot_general3A_83 = tpu.matmul %mul3A_74, %mul3A_81, %dot_general3A_82 {dimension_numbers = #tpu.dot_dimension_numbers<[1], [1], [0], [0], [0, 0, 1, 0], [], []>, transpose_lhs_hint = false} : vector<512x96xf32>, vector<512x96xf32>, vector<512x512xf32> -> vector<512x512xf32>
    %reduce_max3A_84 = arith.constant dense<0xFF800000> : vector<512xf32>
    %reduce_max3A_85 = vector.multi_reduction <maximumf>, %dot_general3A_83, %reduce_max3A_84 [1] : vector<512x512xf32> to vector<512xf32>
    %broadcast_in_dim3A_86 = vector.shape_cast %reduce_max3A_85 : vector<512xf32> to vector<512x1xf32>
    %eq3A_87 = vector.broadcast %broadcast_in_dim3A_86 : vector<512x1xf32> to vector<512x512xf32>
    %eq3A_88 = arith.cmpf oeq, %dot_general3A_83, %eq3A_87 : vector<512x512xf32>
    %convert_element_type3A_89 = arith.extui %eq3A_88 : vector<512x512xi1> to vector<512x512xi32>
    %convert_element_type3A_90 = arith.sitofp %convert_element_type3A_89 : vector<512x512xi32> to vector<512x512xf32>
    %convert_element_type3A_91 = arith.truncf %convert_element_type3A_90 : vector<512x512xf32> to vector<512x512xbf16>
    %broadcast_in_dim3A_92 = arith.constant 1.000000e+00 : f32
    %broadcast_in_dim3A_93 = vector.broadcast %broadcast_in_dim3A_92 : f32 to vector<512x1xf32>
    %concatenate3A_94 = tpu.concatenate %get3A_67, %broadcast_in_dim3A_93 in 1 : vector<512x96xf32>, vector<512x1xf32> -> vector<512x97xf32>
    %convert_element_type3A_95 = arith.truncf %concatenate3A_94 : vector<512x97xf32> to vector<512x97xbf16>
    %dot_general3A_96 = arith.constant dense<0.000000e+00> : vector<512x97xf32>
    %dot_general3A_97 = tpu.matmul %convert_element_type3A_91, %convert_element_type3A_95, %dot_general3A_96 {dimension_numbers = #tpu.dot_dimension_numbers<[0], [0], [1], [1], [0, 1, 1, 1], [], []>, transpose_lhs_hint = false} : vector<512x512xbf16>, vector<512x97xbf16>, vector<512x97xf32> -> vector<512x97xf32>
    %slice3A_98 = vector.extract_strided_slice %dot_general3A_97 {offsets = [0, 0], sizes = [512, 96], strides = [1, 1]} : vector<512x97xf32> to vector<512x96xf32>
    %slice3A_99 = vector.extract_strided_slice %dot_general3A_97 {offsets = [0, 96], sizes = [512, 1], strides = [1, 1]} : vector<512x97xf32> to vector<512x1xf32>
    %get3A_100 = arith.constant 1 : index
    %get3A_101 = arith.constant 0 : index
    %get3A_102 = arith.constant 0 : index
    %get3A_103 = vector.load %arg1[%get3A_100, %get3A_101, %get3A_102] : memref<4x1x96xf32, #tpu.memory_space<vmem>>, vector<1x1x96xf32>
    %get3A_104 = vector.shape_cast %get3A_103 : vector<1x1x96xf32> to vector<1x96xf32>
    %swap3A_105 = arith.constant 1 : index
    %swap3A_106 = arith.constant 0 : index
    %swap3A_107 = arith.constant 0 : index
    %swap3A_108 = vector.load %arg3[%swap3A_105, %swap3A_106, %swap3A_107] : memref<4x513x96xf32, #tpu.memory_space<vmem>>, vector<1x1x96xf32>
    %swap3A_109 = vector.shape_cast %swap3A_108 : vector<1x1x96xf32> to vector<1x96xf32>
    %swap3A_110 = vector.shape_cast %get3A_104 : vector<1x96xf32> to vector<1x1x96xf32>
    tpu.vector_store %arg3[%swap3A_105, %swap3A_106, %swap3A_107], %swap3A_110 {strides = array<i32>} : memref<4x513x96xf32, #tpu.memory_space<vmem>>, vector<1x1x96xf32>,
    %add3A_111 = arith.addf %get3A_61, %slice3A_98 : vector<512x96xf32>
    %add3A_112 = arith.constant 1.000000e+00 : f32
    %add3A_113 = vector.broadcast %add3A_112 : f32 to vector<512x1xf32>
    %add3A_114 = arith.addf %add3A_113, %slice3A_99 : vector<512x1xf32>
    %div3A_115 = arith.constant 1.000000e+00 : f32
    %div3A_116 = vector.broadcast %div3A_115 : f32 to vector<512x1xf32>
    %div3A_117 = arith.divf %div3A_116, %add3A_114 : vector<512x1xf32>
    %mul3A_118 = vector.broadcast %div3A_117 : vector<512x1xf32> to vector<512x96xf32>
    %mul3A_119 = arith.mulf %add3A_111, %mul3A_118 : vector<512x96xf32>
    %swap3A_120 = arith.constant 1 : index
    %swap3A_121 = arith.constant 1 : index
    %swap3A_122 = arith.constant 0 : index
    %swap3A_123 = vector.load %arg3[%swap3A_120, %swap3A_121, %swap3A_122] : memref<4x513x96xf32, #tpu.memory_space<vmem>>, vector<1x512x96xf32>
    %swap3A_124 = vector.shape_cast %swap3A_123 : vector<1x512x96xf32> to vector<512x96xf32>
    %swap3A_125 = vector.shape_cast %mul3A_119 : vector<512x96xf32> to vector<1x512x96xf32>
    tpu.vector_store %arg3[%swap3A_120, %swap3A_121, %swap3A_122], %swap3A_125 {strides = array<i32>} : memref<4x513x96xf32, #tpu.memory_space<vmem>>, vector<1x512x96xf32>,
    %get3A_126 = arith.constant 2 : index
    %get3A_127 = arith.constant 0 : index
    %get3A_128 = arith.constant 0 : index
    %get3A_129 = arith.constant 0 : index
    %get3A_130 = vector.load %arg2[%get3A_126, %get3A_127, %get3A_128, %get3A_129] : memref<4x2x512x96xf32, #tpu.memory_space<vmem>>, vector<1x1x512x96xf32>
    %get3A_131 = vector.shape_cast %get3A_130 : vector<1x1x512x96xf32> to vector<512x96xf32>
    %get3A_132 = arith.constant 2 : index
    %get3A_133 = arith.constant 1 : index
    %get3A_134 = arith.constant 0 : index
    %get3A_135 = arith.constant 0 : index
    %get3A_136 = vector.load %arg2[%get3A_132, %get3A_133, %get3A_134, %get3A_135] : memref<4x2x512x96xf32, #tpu.memory_space<vmem>>, vector<1x1x512x96xf32>
    %get3A_137 = vector.shape_cast %get3A_136 : vector<1x1x512x96xf32> to vector<512x96xf32>
    %mul3A_138 = arith.mulf %get3A_137, %get3A_137 : vector<512x96xf32>
    %reduce_sum3A_139 = arith.constant dense<0.000000e+00> : vector<512xf32>
    %reduce_sum3A_140 = vector.multi_reduction <add>, %mul3A_138, %reduce_sum3A_139 [1] : vector<512x96xf32> to vector<512xf32>
    %broadcast_in_dim3A_141 = vector.shape_cast %reduce_sum3A_140 : vector<512xf32> to vector<512x1xf32>
    %rsqrt3A_142 = math.rsqrt %broadcast_in_dim3A_141 : vector<512x1xf32>
    %mul3A_143 = vector.broadcast %rsqrt3A_142 : vector<512x1xf32> to vector<512x96xf32>
    %mul3A_144 = arith.mulf %get3A_137, %mul3A_143 : vector<512x96xf32>
    %mul3A_145 = arith.mulf %get3A_131, %get3A_131 : vector<512x96xf32>
    %reduce_sum3A_146 = arith.constant dense<0.000000e+00> : vector<512xf32>
    %reduce_sum3A_147 = vector.multi_reduction <add>, %mul3A_145, %reduce_sum3A_146 [1] : vector<512x96xf32> to vector<512xf32>
    %broadcast_in_dim3A_148 = vector.shape_cast %reduce_sum3A_147 : vector<512xf32> to vector<512x1xf32>
    %rsqrt3A_149 = math.rsqrt %broadcast_in_dim3A_148 : vector<512x1xf32>
    %mul3A_150 = vector.broadcast %rsqrt3A_149 : vector<512x1xf32> to vector<512x96xf32>
    %mul3A_151 = arith.mulf %get3A_131, %mul3A_150 : vector<512x96xf32>
    %dot_general3A_152 = arith.constant dense<0.000000e+00> : vector<512x512xf32>
    %dot_general3A_153 = tpu.matmul %mul3A_144, %mul3A_151, %dot_general3A_152 {dimension_numbers = #tpu.dot_dimension_numbers<[1], [1], [0], [0], [0, 0, 1, 0], [], []>, transpose_lhs_hint = false} : vector<512x96xf32>, vector<512x96xf32>, vector<512x512xf32> -> vector<512x512xf32>
    %reduce_max3A_154 = arith.constant dense<0xFF800000> : vector<512xf32>
    %reduce_max3A_155 = vector.multi_reduction <maximumf>, %dot_general3A_153, %reduce_max3A_154 [1] : vector<512x512xf32> to vector<512xf32>
    %broadcast_in_dim3A_156 = vector.shape_cast %reduce_max3A_155 : vector<512xf32> to vector<512x1xf32>
    %eq3A_157 = vector.broadcast %broadcast_in_dim3A_156 : vector<512x1xf32> to vector<512x512xf32>
    %eq3A_158 = arith.cmpf oeq, %dot_general3A_153, %eq3A_157 : vector<512x512xf32>
    %convert_element_type3A_159 = arith.extui %eq3A_158 : vector<512x512xi1> to vector<512x512xi32>
    %convert_element_type3A_160 = arith.sitofp %convert_element_type3A_159 : vector<512x512xi32> to vector<512x512xf32>
    %convert_element_type3A_161 = arith.truncf %convert_element_type3A_160 : vector<512x512xf32> to vector<512x512xbf16>
    %broadcast_in_dim3A_162 = arith.constant 1.000000e+00 : f32
    %broadcast_in_dim3A_163 = vector.broadcast %broadcast_in_dim3A_162 : f32 to vector<512x1xf32>
    %concatenate3A_164 = tpu.concatenate %get3A_137, %broadcast_in_dim3A_163 in 1 : vector<512x96xf32>, vector<512x1xf32> -> vector<512x97xf32>
    %convert_element_type3A_165 = arith.truncf %concatenate3A_164 : vector<512x97xf32> to vector<512x97xbf16>
    %dot_general3A_166 = arith.constant dense<0.000000e+00> : vector<512x97xf32>
    %dot_general3A_167 = tpu.matmul %convert_element_type3A_161, %convert_element_type3A_165, %dot_general3A_166 {dimension_numbers = #tpu.dot_dimension_numbers<[0], [0], [1], [1], [0, 1, 1, 1], [], []>, transpose_lhs_hint = false} : vector<512x512xbf16>, vector<512x97xbf16>, vector<512x97xf32> -> vector<512x97xf32>
    %slice3A_168 = vector.extract_strided_slice %dot_general3A_167 {offsets = [0, 0], sizes = [512, 96], strides = [1, 1]} : vector<512x97xf32> to vector<512x96xf32>
    %slice3A_169 = vector.extract_strided_slice %dot_general3A_167 {offsets = [0, 96], sizes = [512, 1], strides = [1, 1]} : vector<512x97xf32> to vector<512x1xf32>
    %get3A_170 = arith.constant 2 : index
    %get3A_171 = arith.constant 0 : index
    %get3A_172 = arith.constant 0 : index
    %get3A_173 = vector.load %arg1[%get3A_170, %get3A_171, %get3A_172] : memref<4x1x96xf32, #tpu.memory_space<vmem>>, vector<1x1x96xf32>
    %get3A_174 = vector.shape_cast %get3A_173 : vector<1x1x96xf32> to vector<1x96xf32>
    %swap3A_175 = arith.constant 2 : index
    %swap3A_176 = arith.constant 0 : index
    %swap3A_177 = arith.constant 0 : index
    %swap3A_178 = vector.load %arg3[%swap3A_175, %swap3A_176, %swap3A_177] : memref<4x513x96xf32, #tpu.memory_space<vmem>>, vector<1x1x96xf32>
    %swap3A_179 = vector.shape_cast %swap3A_178 : vector<1x1x96xf32> to vector<1x96xf32>
    %swap3A_180 = vector.shape_cast %get3A_174 : vector<1x96xf32> to vector<1x1x96xf32>
    tpu.vector_store %arg3[%swap3A_175, %swap3A_176, %swap3A_177], %swap3A_180 {strides = array<i32>} : memref<4x513x96xf32, #tpu.memory_space<vmem>>, vector<1x1x96xf32>,
    %add3A_181 = arith.addf %get3A_131, %slice3A_168 : vector<512x96xf32>
    %add3A_182 = arith.constant 1.000000e+00 : f32
    %add3A_183 = vector.broadcast %add3A_182 : f32 to vector<512x1xf32>
    %add3A_184 = arith.addf %add3A_183, %slice3A_169 : vector<512x1xf32>
    %div3A_185 = arith.constant 1.000000e+00 : f32
    %div3A_186 = vector.broadcast %div3A_185 : f32 to vector<512x1xf32>
    %div3A_187 = arith.divf %div3A_186, %add3A_184 : vector<512x1xf32>
    %mul3A_188 = vector.broadcast %div3A_187 : vector<512x1xf32> to vector<512x96xf32>
    %mul3A_189 = arith.mulf %add3A_181, %mul3A_188 : vector<512x96xf32>
    %swap3A_190 = arith.constant 2 : index
    %swap3A_191 = arith.constant 1 : index
    %swap3A_192 = arith.constant 0 : index
    %swap3A_193 = vector.load %arg3[%swap3A_190, %swap3A_191, %swap3A_192] : memref<4x513x96xf32, #tpu.memory_space<vmem>>, vector<1x512x96xf32>
    %swap3A_194 = vector.shape_cast %swap3A_193 : vector<1x512x96xf32> to vector<512x96xf32>
    %swap3A_195 = vector.shape_cast %mul3A_189 : vector<512x96xf32> to vector<1x512x96xf32>
    tpu.vector_store %arg3[%swap3A_190, %swap3A_191, %swap3A_192], %swap3A_195 {strides = array<i32>} : memref<4x513x96xf32, #tpu.memory_space<vmem>>, vector<1x512x96xf32>,
    %get3A_196 = arith.constant 3 : index
    %get3A_197 = arith.constant 0 : index
    %get3A_198 = arith.constant 0 : index
    %get3A_199 = arith.constant 0 : index
    %get3A_200 = vector.load %arg2[%get3A_196, %get3A_197, %get3A_198, %get3A_199] : memref<4x2x512x96xf32, #tpu.memory_space<vmem>>, vector<1x1x512x96xf32>
    %get3A_201 = vector.shape_cast %get3A_200 : vector<1x1x512x96xf32> to vector<512x96xf32>
    %get3A_202 = arith.constant 3 : index
    %get3A_203 = arith.constant 1 : index
    %get3A_204 = arith.constant 0 : index
    %get3A_205 = arith.constant 0 : index
    %get3A_206 = vector.load %arg2[%get3A_202, %get3A_203, %get3A_204, %get3A_205] : memref<4x2x512x96xf32, #tpu.memory_space<vmem>>, vector<1x1x512x96xf32>
    %get3A_207 = vector.shape_cast %get3A_206 : vector<1x1x512x96xf32> to vector<512x96xf32>
    %mul3A_208 = arith.mulf %get3A_207, %get3A_207 : vector<512x96xf32>
    %reduce_sum3A_209 = arith.constant dense<0.000000e+00> : vector<512xf32>
    %reduce_sum3A_210 = vector.multi_reduction <add>, %mul3A_208, %reduce_sum3A_209 [1] : vector<512x96xf32> to vector<512xf32>
    %broadcast_in_dim3A_211 = vector.shape_cast %reduce_sum3A_210 : vector<512xf32> to vector<512x1xf32>
    %rsqrt3A_212 = math.rsqrt %broadcast_in_dim3A_211 : vector<512x1xf32>
    %mul3A_213 = vector.broadcast %rsqrt3A_212 : vector<512x1xf32> to vector<512x96xf32>
    %mul3A_214 = arith.mulf %get3A_207, %mul3A_213 : vector<512x96xf32>
    %mul3A_215 = arith.mulf %get3A_201, %get3A_201 : vector<512x96xf32>
    %reduce_sum3A_216 = arith.constant dense<0.000000e+00> : vector<512xf32>
    %reduce_sum3A_217 = vector.multi_reduction <add>, %mul3A_215, %reduce_sum3A_216 [1] : vector<512x96xf32> to vector<512xf32>
    %broadcast_in_dim3A_218 = vector.shape_cast %reduce_sum3A_217 : vector<512xf32> to vector<512x1xf32>
    %rsqrt3A_219 = math.rsqrt %broadcast_in_dim3A_218 : vector<512x1xf32>
    %mul3A_220 = vector.broadcast %rsqrt3A_219 : vector<512x1xf32> to vector<512x96xf32>
    %mul3A_221 = arith.mulf %get3A_201, %mul3A_220 : vector<512x96xf32>
    %dot_general3A_222 = arith.constant dense<0.000000e+00> : vector<512x512xf32>
    %dot_general3A_223 = tpu.matmul %mul3A_214, %mul3A_221, %dot_general3A_222 {dimension_numbers = #tpu.dot_dimension_numbers<[1], [1], [0], [0], [0, 0, 1, 0], [], []>, transpose_lhs_hint = false} : vector<512x96xf32>, vector<512x96xf32>, vector<512x512xf32> -> vector<512x512xf32>
    %reduce_max3A_224 = arith.constant dense<0xFF800000> : vector<512xf32>
    %reduce_max3A_225 = vector.multi_reduction <maximumf>, %dot_general3A_223, %reduce_max3A_224 [1] : vector<512x512xf32> to vector<512xf32>
    %broadcast_in_dim3A_226 = vector.shape_cast %reduce_max3A_225 : vector<512xf32> to vector<512x1xf32>
    %eq3A_227 = vector.broadcast %broadcast_in_dim3A_226 : vector<512x1xf32> to vector<512x512xf32>
    %eq3A_228 = arith.cmpf oeq, %dot_general3A_223, %eq3A_227 : vector<512x512xf32>
    %convert_element_type3A_229 = arith.extui %eq3A_228 : vector<512x512xi1> to vector<512x512xi32>
    %convert_element_type3A_230 = arith.sitofp %convert_element_type3A_229 : vector<512x512xi32> to vector<512x512xf32>
    %convert_element_type3A_231 = arith.truncf %convert_element_type3A_230 : vector<512x512xf32> to vector<512x512xbf16>
    %broadcast_in_dim3A_232 = arith.constant 1.000000e+00 : f32
    %broadcast_in_dim3A_233 = vector.broadcast %broadcast_in_dim3A_232 : f32 to vector<512x1xf32>
    %concatenate3A_234 = tpu.concatenate %get3A_207, %broadcast_in_dim3A_233 in 1 : vector<512x96xf32>, vector<512x1xf32> -> vector<512x97xf32>
    %convert_element_type3A_235 = arith.truncf %concatenate3A_234 : vector<512x97xf32> to vector<512x97xbf16>
    %dot_general3A_236 = arith.constant dense<0.000000e+00> : vector<512x97xf32>
    %dot_general3A_237 = tpu.matmul %convert_element_type3A_231, %convert_element_type3A_235, %dot_general3A_236 {dimension_numbers = #tpu.dot_dimension_numbers<[0], [0], [1], [1], [0, 1, 1, 1], [], []>, transpose_lhs_hint = false} : vector<512x512xbf16>, vector<512x97xbf16>, vector<512x97xf32> -> vector<512x97xf32>
    %slice3A_238 = vector.extract_strided_slice %dot_general3A_237 {offsets = [0, 0], sizes = [512, 96], strides = [1, 1]} : vector<512x97xf32> to vector<512x96xf32>
    %slice3A_239 = vector.extract_strided_slice %dot_general3A_237 {offsets = [0, 96], sizes = [512, 1], strides = [1, 1]} : vector<512x97xf32> to vector<512x1xf32>
    %get3A_240 = arith.constant 3 : index
    %get3A_241 = arith.constant 0 : index
    %get3A_242 = arith.constant 0 : index
    %get3A_243 = vector.load %arg1[%get3A_240, %get3A_241, %get3A_242] : memref<4x1x96xf32, #tpu.memory_space<vmem>>, vector<1x1x96xf32>
    %get3A_244 = vector.shape_cast %get3A_243 : vector<1x1x96xf32> to vector<1x96xf32>
    %swap3A_245 = arith.constant 3 : index
    %swap3A_246 = arith.constant 0 : index
    %swap3A_247 = arith.constant 0 : index
    %swap3A_248 = vector.load %arg3[%swap3A_245, %swap3A_246, %swap3A_247] : memref<4x513x96xf32, #tpu.memory_space<vmem>>, vector<1x1x96xf32>
    %swap3A_249 = vector.shape_cast %swap3A_248 : vector<1x1x96xf32> to vector<1x96xf32>
    %swap3A_250 = vector.shape_cast %get3A_244 : vector<1x96xf32> to vector<1x1x96xf32>
    tpu.vector_store %arg3[%swap3A_245, %swap3A_246, %swap3A_247], %swap3A_250 {strides = array<i32>} : memref<4x513x96xf32, #tpu.memory_space<vmem>>, vector<1x1x96xf32>,
    %add3A_251 = arith.addf %get3A_201, %slice3A_238 : vector<512x96xf32>
    %add3A_252 = arith.constant 1.000000e+00 : f32
    %add3A_253 = vector.broadcast %add3A_252 : f32 to vector<512x1xf32>
    %add3A_254 = arith.addf %add3A_253, %slice3A_239 : vector<512x1xf32>
    %div3A_255 = arith.constant 1.000000e+00 : f32
    %div3A_256 = vector.broadcast %div3A_255 : f32 to vector<512x1xf32>
    %div3A_257 = arith.divf %div3A_256, %add3A_254 : vector<512x1xf32>
    %mul3A_258 = vector.broadcast %div3A_257 : vector<512x1xf32> to vector<512x96xf32>
    %mul3A_259 = arith.mulf %add3A_251, %mul3A_258 : vector<512x96xf32>
    %swap3A_260 = arith.constant 3 : index
    %swap3A_261 = arith.constant 1 : index
    %swap3A_262 = arith.constant 0 : index
    %swap3A_263 = vector.load %arg3[%swap3A_260, %swap3A_261, %swap3A_262] : memref<4x513x96xf32, #tpu.memory_space<vmem>>, vector<1x512x96xf32>
    %swap3A_264 = vector.shape_cast %swap3A_263 : vector<1x512x96xf32> to vector<512x96xf32>
    %swap3A_265 = vector.shape_cast %mul3A_259 : vector<512x96xf32> to vector<1x512x96xf32>
    tpu.vector_store %arg3[%swap3A_260, %swap3A_261, %swap3A_262], %swap3A_265 {strides = array<i32>} : memref<4x513x96xf32, #tpu.memory_space<vmem>>, vector<1x512x96xf32>,
    return
  }
  func.func @transform_0(%arg0: i32) -> (i32, i32, i32) {
    %c0_i32 = arith.constant 0 : i32
    %c0_i32_0 = arith.constant 0 : i32
    %c0_i32_1 = arith.constant 0 : i32
    return %arg0, %c0_i32, %c0_i32_0 : i32, i32, i32
  }
  func.func @transform_1(%arg0: i32) -> (i32, i32, i32, i32) {
    %c0_i32 = arith.constant 0 : i32
    %c0_i32_0 = arith.constant 0 : i32
    %c0_i32_1 = arith.constant 0 : i32
    %c0_i32_2 = arith.constant 0 : i32
    return %arg0, %c0_i32, %c0_i32_0, %c0_i32_1 : i32, i32, i32, i32
  }
  func.func @transform_2(%arg0: i32) -> (i32, i32, i32) {
    %c0_i32 = arith.constant 0 : i32
    %c0_i32_0 = arith.constant 0 : i32
    %c0_i32_1 = arith.constant 0 : i32
    return %arg0, %c0_i32, %c0_i32_0 : i32, i32, i32
  }
}

</mosaic_0001>

<sc_bundles>
// kernel: sparse-core-data-format-call.1.cloned.1.call-start
scs
called_computation.1_lowered:
.L_overlay_start_0:
0x0: {  	s2 =	sld [smem:$0x3FD9]  }
0x1: {  	s3 =	sld [smem:$0x3FFE];
	_ =	sdelay $0x1  }
0x2: {  	s1 =	srdreg.scid  }
0x3: {  	s0 =	sand.u32 $0x1, s1  }
0x4: {  	s18 =	sshll.u32 s0, $0xA;
	s2 =	sadd.s32 s3, s2  }
0x5: {  	s2 =	sadd.s32 s2, s18  }
0x6: {  	[smem:$0x3FC7] =	sst s2  }
0x7: {  	_ = 	snop  }
0x8: {  	s2 =	sld [smem:$0x3FD0];
	(tm) =	ssettm $0x1  }
0x9: {  	s19 =	sld [smem:$0x3FFB];
	_ =	sdelay $0x3  }
0xa: {  	_ =	strace s19  }
0xb: {  	s3 =	sld [smem:$0x3FFC];
	_ =	sdelay $0x3  }
0xc: {  	_ =	strace s3  }
0xd: {  	s3 =	sld [smem:$0x3FFD];
	_ =	sdelay $0x3  }
0xe: {  	_ =	strace s3  }
0xf: {  	_ =	strace $0x8FFFFFFF  }
0x10: {  	s20 =	sld [smem:$0x3FDB];
	_ =	sdelay $0x1  }
0x11: {  	s4 =	simm.s32 $_scs_section_size  }
0x12: {  	s5 =	simm.s32 $_size__tile_overlayer_lowered;
	s6 =	simm.s32 $_tile_overlayer_lowered  }
0x13: {  	s23 =	simm.s32 $0x1BFF;
	s22 =	sshll.u32 s6, $0x1;
	s3 =	sadd.s32 s4, s20  }
0x14: {  	s7 =	simm.s32 $0x0;
	s21 =	sshll.u32 s5, $0x1;
	s5 =	sadd.s32 s22, s3  }
0x15: {  	[timem:s7], [sflag:s23] =	dma.local [hbm:s5], s21  }
0x16: {  	_ =	swait.ge [sflag:s23], s21  }
0x17: {  	s4 =	ssub.s32 $0x0, s21;
	[sflag:s23] =	ssyncset.done $0x0  }
0x18: {  	[sflag:s23] =	ssyncadd.s32 s4;
	_ =	sdelay $0x1  }
0x19: {  	s24 =	simm.s32 $0x1B8B  }
0x1a: {  	_ =	swait.ge [sflag:s24], $0x1  }
0x1b: {  	[sflag:s24] =	ssyncset.done $0x0  }
0x1c: {  	s26 =	simm.s32 $0x1B8E;
	s25 =	sld [smem:$0x3FFE];
	[sflag:s24] =	ssyncadd.s32 $0xFFFFFFFF  }
0x1d: {  	s27 =	simm.s32 $execute0_lowered;
	[smem:$0x3FD2] =	sst s26  }
0x1e: {  	s5 =	sshll.u32 s27, $0x1;
	_ =	strace $0x80000046;
	[dreg:$0x1] =	wrdreg $0xFFFFFFFF  }
0x1f: {  	s28 =	simm.s32 $_size_execute0_lowered;
	s3 =	sadd.s32 s3, s5;
	[dreg:$0x0] =	wrdreg $0x0  }
0x20: {  	s5 =	sshll.u32 s28, $0x1;
	[dreg:$0x2] =	wrdreg s3  }
0x21: {  	[dreg:$0x3] =	wrdreg s5  }
0x22: {  	[dreg:$0x4] =	wrdreg $0xC0  }
0x23: {  	_ =	task [dreg:s7], $0x5FFFF  }
0x24: {  	[dreg:$0x1] =	wrdreg $0xFFFFFFFF  }
0x25: {  	[dreg:$0x0] =	wrdreg $0x60  }
0x26: {  	[dreg:$0x2] =	wrdreg s2  }
0x27: {  	[dreg:$0x3] =	wrdreg s25  }
0x28: {  	[dreg:$0x4] =	wrdreg $0x9  }
0x29: {  	_ =	task.clear_ibuf [dreg:s7], $0x5FFFF;
	_ =	strace $0x90000046  }
0x2a: {  	s29 =	simm.s32 $0x9;
	_ =	strace $0x80000048  }
0x2b: {  	_ =	swait.ge [sflag:s29], $0x1  }
0x2c: {  	[sflag:s29] =	ssyncadd.s32 $0xFFFFFFFF  }
0x2d: {  	_ =	strace $0x90000048  }
0x2e: {  	_ =	sfence  }
0x2f: {  	s30 =	sld [smem:$0x0];
	_ =	sdelay $0x2  }
0x30: {  	s31 =	sshll.u32 s1, $0xD;
	s1 =	sshrl.u32 s1, $0x2  }
0x31: {  	s3 =	sand.u32 $0x4000, s31;
	s1 =	sadd.s32 s1, s30  }
0x32: {  	s0 =	sor.u32 s3, s0;
	s1 =	sshll.u32 s1, $0x11  }
0x33: {  	s0 =	sor.u32 s1, s0  }
0x34: {  	s0 =	sadd.s32 $0x8F2B, s0  }
0x35: {  	[sflag:s0] =	ssyncadd.remote.s32 $0x1  }
0x36: {  	_ =	sfence.sel $0xFFFF  }
0x37: {  	[dreg:$0x0] =	wrdreg $0xFFFFFFFF;
	(pc) =	sbr.abs _section_cstart, $3  }
0x38: {  	[dreg:$0x1] =	wrdreg $0xFFFFFFFF  }
0x39: {  	_ =	task.clear_ibuf [dreg:s7], $0x2FFFF;
	_ =	strace $0x9FFFFFFF  }
0x3a: {  	(tm) =	ssettm $0x7FFFFFFF  }
0x3b: {  	_ =	shalt  }
tec
execute0_lowered:
.L_overlay_start_1:
0x0: {  	(tag) =	ssettag $0x1  }
0x1: {  	s2 =	rddreg [dreg:$0x0]  }
0x2: {  	s1 =	rddreg [dreg:$0x1]  }
0x3: {  	s0 =	rddreg [dreg:$0x2];
	_ =	strace $0x80000047;
	s4 =	srdreg.scid  }
0x4: {  	s6 =	simm.s32 $0x2;
	s11 =	simm.s32 $0x0;
	p0 =	por $0x0, $0x0  }
.Ltmp0:
0x5: {  	s7 =	simm.s32 $0x20000;
	s12 =	simm.s32 $0x0;
	(pc) =	sbr.rel .LBB1_1-.Ltmp0, $4  }
0x6: {  	s9 =	simm.s32 $0x0;
	s3 =	sadd.s32 $0x181000, s1;
	s5 =	sshll.u32 s4, $0x4  }
0x7: {  	s1 =	stileid.u32;
	s4 =	simm.s32 $0x1;
	s5 =	sand.u32 $0x10, s5  }
0x8: {  	s8 =	simm.s32 $0x0;
	[sflag:s4] =	ssyncpa.u1 $0x0;
	s5 =	sor.u32 s1, s5  }
0x9: {  	[sflag:s6] =	ssyncpa.u1 $0x0;
	s6 =	simm.s32 $0x80;
	s10 =	smov.u32 s5  }
.LBB1_5:
0xa: {  	s13 =	sadd.s32 $0x1, s9  }
0xb: {  	s11 =	sadd.s32 $0x20, s10;
	s15 =	smov.u32 s10;
	p2 =	sgt.s32 s13, $0x1  }
0xc: {  	p1 =	slt.u32 s8, $0x2;
	s15 =	smov.u32 @p2 s11  }
0xd: {  	s8 =	sadd.s32 $0x1, s8;
	s13 =	simm.s32 @p2 $0x0;
	p2 =	sgt.s32 s15, $0x1FF  }
0xe: {  	s15 =	smov.u32 @p2 s5;
	p2 =	sne.s32 s8, $0x22  }
.Ltmp1:
0xf: {  	_ = 	snop;
	(pc) =	sbr.rel @!p2 .LBB1_6-.Ltmp1, $4  }
0x10: {  	s14 =	simm.s32 @!p1 $0x2  }
0x11: {  	s12 =	smov.u32 s10;
	_ =	swait.ge @!p1 [sflag:s14], $0x4000  }
0x12: {  	p0 =	por !p0, !p0;
	s11 =	smov.u32 s9;
	[sflag:s14] =	ssyncset.done @!p1 $0x0  }
0x13: {  	s9 =	smov.u32 s13;
	[sflag:s14] =	ssyncadd.s32 @!p1 $0xFFFFC000;
	s10 =	smov.u32 s15  }
.LBB1_1:
0x14: {  	p1 =	sgt.u32 s8, $0x1F  }
0x15: {  	p2 =	sgt.s32 @!p1 s10, $0x1FF  }
0x16: {  	s13 =	smov.u32 s10;
	s16 =	smov.u32 s9;
	p2 =	por !p2, p1  }
0x17: {  	s14 =	sshra.s32 @!p1 s9, $0x1F;
	s13 =	simm.s32 @p2 $0x1FF;
	p2 =	sgt.s32 @!p1 s9, $0x1  }
0x18: {  	s15 =	sshra.s32 @!p1 s10, $0x1F;
	s14 =	sand.u32 @!p1 s14, s9;
	p2 =	por !p2, p1  }
0x19: {  	s15 =	sand.u32 @!p1 s15, s10;
	s14 =	sxor.u32 @!p1 $0xFFFFFFFF, s14;
	s16 =	simm.s32 @p2 $0x1  }
0x1a: {  	s13 =	ssub.s32 @!p1 s13, s15;
	s14 =	sadd.s32 @!p1 s14, s16  }
0x1b: {  	s15 =	sadd.s32 @!p1 $0xFFFFFE01, s13;
	s13 =	ssub.s32 @!p1 $0x200, s13;
	s16 =	ssub.s32 @!p1 $0x1, s14  }
0x1c: {  	p2 =	sgt.s32 @!p1 s15, $0x0;
	p3 =	sgt.s32 @!p1 s14, $0x0;
	s14 =	smul.u32 @!p1 $0xC000, s16  }
0x1d: {  	s15 =	smul.u32 @!p1 $0xC00, s10;
	p2 =	por !p2, p1;
	p3 =	por !p3, p1  }
0x1e: {  	s13 =	simm.s32 @!p2 $0x0;
	s16 =	smul.u32 @!p1 $0x600, s9;
	s14 =	simm.s32 @!p3 $0x0  }
0x1f: {  	s15 =	sadd.s32 @!p1 s2, s15;
	s13 =	smul.u32 @!p1 s13, s14;
	s14 =	sxor.u32 @!p1 $0xFFFFFFFF, s8  }
0x20: {  	s15 =	sadd.s32 @!p1 s16, s15;
	s14 =	sshll.u32 @!p1 s14, $0xE  }
0x21: {  	s16 =	simm.s32 @!p1 $0x0;
	s14 =	sand.u32 @!p1 $0x4000, s14;
	s13 =	sshrl.u32 @!p1 s13, $0x2  }
0x22: {  	[tilespmem:s14], [sflag:$0x1] =	stream.linear.gather @!p1 [hbm4b:s15+s16], s13, $0x38;
	[tilespmem:$0x10100] =	vst v63  }
0x23: {  	p1 =	seq.s32 s8, $0x0  }
0x24: {  	p2 =	seq.s32 @!p1 s8, $0x21  }
0x25: {  	p1 =	por p1, p2  }
.Ltmp2:
0x26: {  	_ = 	snop;
	(pc) =	sbr.rel @p1 .LBB1_5-.Ltmp2, $1  }
0x27: {  	_ =	sdelay $0x3  }
0x28: {  	s13 =	sshra.s32 s11, $0x1F;
	p1 =	sgt.s32 s12, $0x1FF;
	p2 =	sgt.s32 s11, $0x1  }
0x29: {  	s14 =	smov.u32 s11;
	s15 =	smov.u32 s12;
	s13 =	sand.u32 s13, s11  }
0x2a: {  	s16 =	sshra.s32 s12, $0x1F;
	s14 =	simm.s32 @!p2 $0x1;
	s13 =	sxor.u32 $0xFFFFFFFF, s13  }
0x2b: {  	s15 =	simm.s32 @!p1 $0x1FF;
	s16 =	sand.u32 s16, s12;
	s13 =	sadd.s32 s13, s14  }
0x2c: {  	s25 =	ssub.s32 s15, s16;
	s26 =	ssub.s32 $0x1, s13  }
0x2d: {  	s16 =	sadd.s32 $0xFFFFFE01, s25;
	s15 =	smul.u32 $0xC000, s26  }
0x2e: {  	s14 =	ssub.s32 $0x200, s25;
	p1 =	sgt.s32 s16, $0x0;
	p2 =	sgt.s32 s13, $0x0  }
0x2f: {  	s14 =	simm.s32 @p1 $0x0;
	s15 =	simm.s32 @p2 $0x0  }
0x30: {  	s27 =	smul.u32 s14, s15;
	_ =	sdelay $0x1  }
0x31: {  	s14 =	simm.s32 $0x1;
	s13 =	sshrl.u32 s27, $0x2  }
0x32: {  	s14 =	simm.s32 @!p0 $0x0;
	_ =	swait.ge [sflag:s4], s13  }
0x33: {  	s28 =	sshll.u32 s14, $0xE;
	s13 =	ssub.s32 $0x0, s13;
	[sflag:s4] =	ssyncset.done $0x0  }
0x34: {  	s29 =	sor.u32 $0x40, s28;
	[sflag:s4] =	ssyncadd.s32 s13  }
0x35: {  	s30 =	smul.u32 $0x10200, s14;
	v0 =	vld [tilespmem:s29+$0x30]  }
0x36: {  	v3 =	vld [tilespmem:s29+$0xFFFFFFD0]  }
0x37: {  	s13 =	sshrl.u32 s30, $0x2;
	v4 =	vld [tilespmem:s29+$0xFFFFFFE0]  }
0x38: {  	s14 =	sor.u32 $0x8000, s13;
	v5 =	vld [tilespmem:s29+$0xFFFFFFF0]  }
0x39: {  	s31 =	sand.u32 $0x1, s8;
	v1 =	vld [tilespmem:s29+$0x0];
	s15 =	sadd.s32 $0x0, s14  }
0x3a: {  	s13 =	smul.u32 $0x10200, s31;
	v2 =	vld [tilespmem:s29+$0x10];
	[tilespmem:s15+$0x3870 ss:$0x81] =	vst.msk $0xffff, v0  }
0x3b: {  	[tilespmem:s15+$0x810 ss:$0x81] =	vst.msk $0xffff, v3;
	v3 =	vld [tilespmem:s29+$0x20]  }
0x3c: {  	s16 =	sadd.s32 $0x80, s29;
	s13 =	sshrl.u32 s13, $0x2;
	v0 =	vld [tilespmem:s29+$0xFFFFFFC0];
	[tilespmem:s15+$0x1020 ss:$0x81] =	vst.msk $0xffff, v4  }
0x3d: {  	s17 =	simm.s32 $0x4;
	s18 =	simm.s32 $0x8;
	s13 =	sor.u32 $0x8000, s13;
	v4 =	vld [tilespmem:s16+$0x30];
	[tilespmem:s15+$0x1830 ss:$0x81] =	vst.msk $0xffff, v5  }
.LBB1_3:
0x3e: {  	p1 =	sne.s32 s18, $0x1FC;
	v5 =	vld [tilespmem:s16+$0xFFFFFFD0];
	[tilespmem:s15+$0x2040 ss:$0x81] =	vst.msk $0xffff, v1  }
0x3f: {  	v6 =	vld [tilespmem:s16+$0xFFFFFFE0];
	[tilespmem:s15+$0x2850 ss:$0x81] =	vst.msk $0xffff, v2  }
0x40: {  	s19 =	sshra.s32 s17, $0x2;
	s17 =	smov.u32 s18;
	v7 =	vld [tilespmem:s16+$0xFFFFFFF0];
	[tilespmem:s15+$0x3060 ss:$0x81] =	vst.msk $0xffff, v3  }
.Ltmp3:
0x41: {  	v1 =	vld [tilespmem:s16+$0x0];
	[tilespmem:s15+$0x0 ss:$0x81] =	vst.msk $0xffff, v0;
	s15 =	sadd.s32 s19, s14;
	(pc) =	sbr.rel @p1 .LBB1_3-.Ltmp3, $4  }
0x42: {  	v2 =	vld [tilespmem:s16+$0x10];
	[tilespmem:s15+$0x3870 ss:$0x81] =	vst.msk $0xffff, v4  }
0x43: {  	[tilespmem:s15+$0x810 ss:$0x81] =	vst.msk $0xffff, v5;
	v3 =	vld [tilespmem:s16+$0x20]  }
0x44: {  	v0 =	vld [tilespmem:s16+$0xFFFFFFC0];
	[tilespmem:s15+$0x1020 ss:$0x81] =	vst.msk $0xffff, v6;
	s16 =	sadd.s32 $0x80, s16  }
0x45: {  	s18 =	sadd.s32 $0x4, s18;
	v4 =	vld [tilespmem:s16+$0x30];
	[tilespmem:s15+$0x1830 ss:$0x81] =	vst.msk $0xffff, v7  }
0x46: {  	v5 =	vld [tilespmem:s16+$0xFFFFFFD0];
	[tilespmem:s15+$0x2040 ss:$0x81] =	vst.msk $0xffff, v1  }
0x47: {  	v58 =	vld [tilespmem:s16+$0xFFFFFFE0];
	[tilespmem:s15+$0x2850 ss:$0x81] =	vst.msk $0xffff, v2  }
0x48: {  	s17 =	sshra.s32 s17, $0x2;
	v59 =	vld [tilespmem:s16+$0xFFFFFFF0];
	[tilespmem:s15+$0x3060 ss:$0x81] =	vst.msk $0xffff, v3  }
0x49: {  	v60 =	vld [tilespmem:s16+$0x0];
	s14 =	sadd.s32 s17, s14;
	[tilespmem:s15+$0x0 ss:$0x81] =	vst.msk $0xffff, v0  }
0x4a: {  	v61 =	vld [tilespmem:s16+$0x10];
	[tilespmem:s14+$0x3870 ss:$0x81] =	vst.msk $0xffff, v4  }
0x4b: {  	v62 =	vld [tilespmem:s16+$0x20];
	[tilespmem:s14+$0x810 ss:$0x81] =	vst.msk $0xffff, v5  }
0x4c: {  	v63 =	vld [tilespmem:s16+$0xFFFFFFC0];
	[tilespmem:s14+$0x1020 ss:$0x81] =	vst.msk $0xffff, v58  }
0x4d: {  	[tilespmem:s14+$0x1830 ss:$0x81] =	vst.msk $0xffff, v59  }
.Ltmp4:
0x4e: {  	s12 =	sshll.u32 s12, $0x4;
	[tilespmem:s14+$0x2040 ss:$0x81] =	vst.msk $0xffff, v60;
	(pc) =	sbr.rel .LBB1_5-.Ltmp4, $4  }
0x4f: {  	s12 =	sand.u32 $0x1FF0, s12;
	[tilespmem:s14+$0x2850 ss:$0x81] =	vst.msk $0xffff, v61  }
0x50: {  	s11 =	sshll.u32 s11, $0xD;
	s12 =	sadd.s32 s3, s12;
	[tilespmem:s14+$0x3060 ss:$0x81] =	vst.msk $0xffff, v62  }
0x51: {  	s11 =	sadd.s32 s11, s12;
	[tilespmem:s14+$0x0 ss:$0x81] =	vst.msk $0xffff, v63  }
0x52: {  	[hbm4b:s11+s6] =	stream.strided.scatter [tilespmem:s13], [sflag:$0x2], $0x4000, s7, s6, $0x20;
	[tilespmem:$0x10100] =	vst v63  }
.LBB1_6:
0x53: {  	_ =	sfence.sel $0x180000  }
0x54: {  	s2 =	simm.s32 $0x1;
	[bflag:$0x0] =	sbarrier.arrive $0xFFFF  }
0x55: {  	s31 =	simm.s32 $0x2;
	[sflag:s2] =	ssyncpa.u1 $0x1  }
0x56: {  	[sflag:s31] =	ssyncpa.u1 $0x1  }
0x57: {  	p0 =	sne.s32 s1, $0x0;
	_ =	strace $0x90000047  }
0x58: {  	s0 =	sadd.s32 @!p0 $0x100000, s0;
	[bflag:$0x2] =	sbarrier.arrive $0xFFFF  }
0x59: {  	[sflag:s0] =	ssyncadd.tile.s32 @!p0 $0x1;
	_ =	shalt  }
.Lfunc_end1:
_tile_overlayer_lowered:
.L_overlay_start_2:
0x5a: {  	(tag) =	ssettag $0x2  }
0x5b: {  	s0 =	rddreg [dreg:$0x0];
	s2 =	stileid.u32  }
0x5c: {  	s1 =	rddreg [dreg:$0x1];
	p0 =	sne.s32 s2, $0x0  }
0x5d: {  	s3 =	rddreg [dreg:$0x2];
	[bflag:$0x3] =	sbarrier.arrive $0xFFFF;
	s2 =	simm.s32 @!p0 $0x1C01  }
0x5e: {  	[timem:s3], [sflag:s2] =	dma.local @!p0 [hbm:s0], s1  }
0x5f: {  	s0 =	simm.s32 @!p0 $0x1  }
0x60: {  	_ =	swait.ge @!p0 [sflag:s0], s1  }
0x61: {  	s1 =	ssub.s32 @!p0 $0x0, s1;
	[sflag:s0] =	ssyncset.done @!p0 $0x0  }
0x62: {  	[sflag:s0] =	ssyncadd.s32 @!p0 s1  }
0x63: {  	[bflag:$0x3] =	sbarrier.arrive $0xFFFF  }
0x64: {  	_ =	shalt  }

// kernel: sparse-core-data-format-call.2.cloned.1.call-start
scs
called_computation.2_lowered:
.L_overlay_start_0:
0x0: {  	s2 =	sld [smem:$0x3FD9]  }
0x1: {  	s3 =	sld [smem:$0x3FFE];
	_ =	sdelay $0x1  }
0x2: {  	s1 =	srdreg.scid  }
0x3: {  	s0 =	sand.u32 $0x1, s1  }
0x4: {  	s18 =	sshll.u32 s0, $0xA;
	s2 =	sadd.s32 s3, s2  }
0x5: {  	s2 =	sadd.s32 s2, s18  }
0x6: {  	[smem:$0x3FC7] =	sst s2  }
0x7: {  	_ = 	snop  }
0x8: {  	(tm) =	ssettm $0x1  }
0x9: {  	s19 =	sld [smem:$0x3FFB];
	_ =	sdelay $0x3  }
0xa: {  	_ =	strace s19  }
0xb: {  	s2 =	sld [smem:$0x3FFC];
	_ =	sdelay $0x3  }
0xc: {  	_ =	strace s2  }
0xd: {  	s2 =	sld [smem:$0x3FFD];
	_ =	sdelay $0x3  }
0xe: {  	_ =	strace s2  }
0xf: {  	_ =	strace $0x8FFFFFFF  }
0x10: {  	s20 =	sld [smem:$0x3FDB];
	_ =	sdelay $0x1  }
0x11: {  	s21 =	simm.s32 $_scs_section_size  }
0x12: {  	s4 =	simm.s32 $_size__tile_overlayer_lowered;
	s5 =	simm.s32 $_tile_overlayer_lowered  }
0x13: {  	s6 =	simm.s32 $0x1BFF;
	s22 =	sshll.u32 s5, $0x1;
	s3 =	sadd.s32 s21, s20  }
0x14: {  	s23 =	simm.s32 $0x0;
	s4 =	sshll.u32 s4, $0x1;
	s5 =	sadd.s32 s22, s3  }
0x15: {  	[timem:s23], [sflag:s6] =	dma.local [hbm:s5], s4  }
0x16: {  	_ =	swait.ge [sflag:s6], s4  }
0x17: {  	s4 =	ssub.s32 $0x0, s4;
	[sflag:s6] =	ssyncset.done $0x0  }
0x18: {  	[sflag:s6] =	ssyncadd.s32 s4;
	_ =	sdelay $0x1  }
0x19: {  	s24 =	simm.s32 $0x1B8B  }
0x1a: {  	_ =	swait.ge [sflag:s24], $0x1  }
0x1b: {  	[sflag:s24] =	ssyncset.done $0x0  }
0x1c: {  	[sflag:s24] =	ssyncadd.s32 $0xFFFFFFFF  }
0x1d: {  	s4 =	sld [smem:$0x0]  }
0x1e: {  	s5 =	sand.u32 $0xFFFFFFFE, s1  }
0x1f: {  	p0 =	sne.s32 s1, s5  }
0x20: {  	s5 =	sshll.u32 @p0 s5, $0xE  }
0x21: {  	s5 =	sadd.s32 @p0 $0x11B8D, s5;
	s6 =	sshll.u32 @p0 s4, $0x11  }
0x22: {  	s5 =	sor.u32 @p0 s6, s5  }
0x23: {  	[sflag:s5] =	ssyncadd.remote.s32 @p0 $0x1;
	_ =	sdelay $0x1  }
0x24: {  	s5 =	simm.s32 @p0 $0x1B8D  }
0x25: {  	_ =	swait.eq @p0 [sflag:s5], $0x1  }
0x26: {  	[sflag:s5] =	ssyncadd.s32 @p0 $0xFFFFFFFF  }
0x27: {  	s6 =	sshll.u32 @!p0 s1, $0xE  }
0x28: {  	s6 =	sor.u32 @!p0 $0x4000, s6;
	s5 =	simm.s32 @!p0 $0x1B8D  }
0x29: {  	s4 =	sshll.u32 @!p0 s4, $0x11;
	s6 =	sadd.s32 @!p0 $0x11B8D, s6;
	_ =	swait.eq @!p0 [sflag:s5], $0x1  }
0x2a: {  	s4 =	sor.u32 @!p0 s4, s6;
	[sflag:s5] =	ssyncadd.s32 @!p0 $0xFFFFFFFF  }
0x2b: {  	s26 =	simm.s32 $0x1B8E;
	s25 =	sld [smem:$0x3FFE];
	[sflag:s4] =	ssyncadd.remote.s32 @!p0 $0x1  }
0x2c: {  	s27 =	simm.s32 $execute0_lowered;
	[smem:$0x3FD2] =	sst s26  }
0x2d: {  	s5 =	sshll.u32 s27, $0x1;
	_ =	strace $0x80000049;
	[dreg:$0x1] =	wrdreg $0xFFFFFFFF  }
0x2e: {  	s28 =	simm.s32 $_size_execute0_lowered;
	s3 =	sadd.s32 s3, s5;
	[dreg:$0x0] =	wrdreg $0x0  }
0x2f: {  	s5 =	sshll.u32 s28, $0x1;
	[dreg:$0x2] =	wrdreg s3  }
0x30: {  	[dreg:$0x3] =	wrdreg s5  }
0x31: {  	[dreg:$0x4] =	wrdreg $0xC0  }
0x32: {  	_ =	task [dreg:s23], $0x5FFFF  }
0x33: {  	[dreg:$0x1] =	wrdreg $0xFFFFFFFF  }
0x34: {  	[dreg:$0x0] =	wrdreg $0x60  }
0x35: {  	[dreg:$0x2] =	wrdreg s25  }
0x36: {  	[dreg:$0x3] =	wrdreg $0xA  }
0x37: {  	_ =	task.clear_ibuf [dreg:s23], $0x4FFFF;
	_ =	strace $0x90000049  }
0x38: {  	s29 =	simm.s32 $0xA;
	_ =	strace $0x8000004B  }
0x39: {  	_ =	swait.ge [sflag:s29], $0x1  }
0x3a: {  	[sflag:s29] =	ssyncadd.s32 $0xFFFFFFFF  }
0x3b: {  	_ =	strace $0x9000004B  }
0x3c: {  	_ =	sfence  }
0x3d: {  	s30 =	sld [smem:$0x0];
	_ =	sdelay $0x2  }
0x3e: {  	s31 =	sshll.u32 s1, $0xD;
	s1 =	sshrl.u32 s1, $0x2  }
0x3f: {  	s4 =	sand.u32 $0x4000, s31;
	s1 =	sadd.s32 s1, s30  }
0x40: {  	s0 =	sor.u32 s4, s0;
	s1 =	sshll.u32 s1, $0x11  }
0x41: {  	s0 =	sor.u32 s1, s0  }
0x42: {  	s0 =	sadd.s32 $0x8F2B, s0  }
0x43: {  	[sflag:s0] =	ssyncadd.remote.s32 $0x1  }
0x44: {  	_ =	sfence.sel $0xFFFF  }
0x45: {  	[dreg:$0x0] =	wrdreg $0xFFFFFFFF;
	(pc) =	sbr.abs _section_cstart, $3  }
0x46: {  	[dreg:$0x1] =	wrdreg $0xFFFFFFFF  }
0x47: {  	_ =	task.clear_ibuf [dreg:s23], $0x2FFFF;
	_ =	strace $0x9FFFFFFF  }
0x48: {  	(tm) =	ssettm $0x7FFFFFFF  }
0x49: {  	_ =	shalt  }
tec
execute0_lowered:
.L_overlay_start_1:
0x0: {  	(tag) =	ssettag $0x1  }
0x1: {  	s1 =	rddreg [dreg:$0x0]  }
0x2: {  	s0 =	rddreg [dreg:$0x1]  }
0x3: {  	_ =	strace $0x8000004A;
	s4 =	srdreg.scid;
	s6 =	simm.s32 $0x2  }
0x4: {  	s11 =	simm.s32 $0x0;
	p0 =	por $0x0, $0x0;
	s7 =	simm.s32 $0x20000  }
.Ltmp0:
0x5: {  	s12 =	simm.s32 $0x0;
	s9 =	simm.s32 $0x0;
	(pc) =	sbr.rel .LBB1_1-.Ltmp0, $4  }
0x6: {  	s2 =	sadd.s32 $0x1000, s1;
	s3 =	sadd.s32 $0x381000, s1;
	s5 =	sshll.u32 s4, $0x4  }
0x7: {  	s1 =	stileid.u32;
	s4 =	simm.s32 $0x1;
	s5 =	sand.u32 $0x10, s5  }
0x8: {  	s8 =	simm.s32 $0x0;
	[sflag:s4] =	ssyncpa.u1 $0x0;
	s5 =	sor.u32 s1, s5  }
0x9: {  	[sflag:s6] =	ssyncpa.u1 $0x0;
	s6 =	simm.s32 $0x80;
	s10 =	smov.u32 s5  }
.LBB1_5:
0xa: {  	s13 =	sadd.s32 $0x1, s9  }
0xb: {  	s11 =	sadd.s32 $0x20, s10;
	s15 =	smov.u32 s10;
	p2 =	sgt.s32 s13, $0x1  }
0xc: {  	p1 =	slt.u32 s8, $0x2;
	s15 =	smov.u32 @p2 s11  }
0xd: {  	s8 =	sadd.s32 $0x1, s8;
	s13 =	simm.s32 @p2 $0x0;
	p2 =	sgt.s32 s15, $0x1FF  }
0xe: {  	s15 =	smov.u32 @p2 s5;
	p2 =	sne.s32 s8, $0x22  }
.Ltmp1:
0xf: {  	_ = 	snop;
	(pc) =	sbr.rel @!p2 .LBB1_6-.Ltmp1, $4  }
0x10: {  	s14 =	simm.s32 @!p1 $0x2  }
0x11: {  	s12 =	smov.u32 s10;
	_ =	swait.ge @!p1 [sflag:s14], $0x4000  }
0x12: {  	p0 =	por !p0, !p0;
	s11 =	smov.u32 s9;
	[sflag:s14] =	ssyncset.done @!p1 $0x0  }
0x13: {  	s9 =	smov.u32 s13;
	[sflag:s14] =	ssyncadd.s32 @!p1 $0xFFFFC000;
	s10 =	smov.u32 s15  }
.LBB1_1:
0x14: {  	p1 =	sgt.u32 s8, $0x1F  }
0x15: {  	p2 =	sgt.s32 @!p1 s10, $0x1FF  }
0x16: {  	s13 =	smov.u32 s10;
	s16 =	smov.u32 s9;
	p2 =	por !p2, p1  }
0x17: {  	s14 =	sshra.s32 @!p1 s9, $0x1F;
	s13 =	simm.s32 @p2 $0x1FF;
	p2 =	sgt.s32 @!p1 s9, $0x1  }
0x18: {  	s15 =	sshra.s32 @!p1 s10, $0x1F;
	s14 =	sand.u32 @!p1 s14, s9;
	p2 =	por !p2, p1  }
0x19: {  	s15 =	sand.u32 @!p1 s15, s10;
	s14 =	sxor.u32 @!p1 $0xFFFFFFFF, s14;
	s16 =	simm.s32 @p2 $0x1  }
0x1a: {  	s13 =	ssub.s32 @!p1 s13, s15;
	s14 =	sadd.s32 @!p1 s14, s16  }
0x1b: {  	s15 =	sadd.s32 @!p1 $0xFFFFFE01, s13;
	s13 =	ssub.s32 @!p1 $0x200, s13;
	s16 =	ssub.s32 @!p1 $0x1, s14  }
0x1c: {  	p2 =	sgt.s32 @!p1 s15, $0x0;
	p3 =	sgt.s32 @!p1 s14, $0x0;
	s14 =	smul.u32 @!p1 $0xC000, s16  }
0x1d: {  	s15 =	smul.u32 @!p1 $0xC00, s10;
	p2 =	por !p2, p1;
	p3 =	por !p3, p1  }
0x1e: {  	s13 =	simm.s32 @!p2 $0x0;
	s16 =	smul.u32 @!p1 $0x600, s9;
	s14 =	simm.s32 @!p3 $0x0  }
0x1f: {  	s15 =	sadd.s32 @!p1 s2, s15;
	s13 =	smul.u32 @!p1 s13, s14;
	s14 =	sxor.u32 @!p1 $0xFFFFFFFF, s8  }
0x20: {  	s15 =	sadd.s32 @!p1 s16, s15;
	s14 =	sshll.u32 @!p1 s14, $0xE  }
0x21: {  	s16 =	simm.s32 @!p1 $0x0;
	s14 =	sand.u32 @!p1 $0x4000, s14;
	s13 =	sshrl.u32 @!p1 s13, $0x2  }
0x22: {  	[tilespmem:s14], [sflag:$0x1] =	stream.linear.gather @!p1 [hbm4b:s15+s16], s13, $0x38;
	[tilespmem:$0x10100] =	vst v63  }
0x23: {  	p1 =	seq.s32 s8, $0x0  }
0x24: {  	p2 =	seq.s32 @!p1 s8, $0x21  }
0x25: {  	p1 =	por p1, p2  }
.Ltmp2:
0x26: {  	_ = 	snop;
	(pc) =	sbr.rel @p1 .LBB1_5-.Ltmp2, $1  }
0x27: {  	_ =	sdelay $0x3  }
0x28: {  	s13 =	sshra.s32 s11, $0x1F;
	p1 =	sgt.s32 s12, $0x1FF;
	p2 =	sgt.s32 s11, $0x1  }
0x29: {  	s14 =	smov.u32 s11;
	s15 =	smov.u32 s12;
	s13 =	sand.u32 s13, s11  }
0x2a: {  	s16 =	sshra.s32 s12, $0x1F;
	s14 =	simm.s32 @!p2 $0x1;
	s13 =	sxor.u32 $0xFFFFFFFF, s13  }
0x2b: {  	s15 =	simm.s32 @!p1 $0x1FF;
	s16 =	sand.u32 s16, s12;
	s13 =	sadd.s32 s13, s14  }
0x2c: {  	s25 =	ssub.s32 s15, s16;
	s26 =	ssub.s32 $0x1, s13  }
0x2d: {  	s16 =	sadd.s32 $0xFFFFFE01, s25;
	s15 =	smul.u32 $0xC000, s26  }
0x2e: {  	s14 =	ssub.s32 $0x200, s25;
	p1 =	sgt.s32 s16, $0x0;
	p2 =	sgt.s32 s13, $0x0  }
0x2f: {  	s14 =	simm.s32 @p1 $0x0;
	s15 =	simm.s32 @p2 $0x0  }
0x30: {  	s27 =	smul.u32 s14, s15;
	_ =	sdelay $0x1  }
0x31: {  	s14 =	simm.s32 $0x1;
	s13 =	sshrl.u32 s27, $0x2  }
0x32: {  	s14 =	simm.s32 @!p0 $0x0;
	_ =	swait.ge [sflag:s4], s13  }
0x33: {  	s28 =	sshll.u32 s14, $0xE;
	s13 =	ssub.s32 $0x0, s13;
	[sflag:s4] =	ssyncset.done $0x0  }
0x34: {  	s29 =	sor.u32 $0x40, s28;
	[sflag:s4] =	ssyncadd.s32 s13  }
0x35: {  	s30 =	smul.u32 $0x10200, s14;
	v0 =	vld [tilespmem:s29+$0x30]  }
0x36: {  	v3 =	vld [tilespmem:s29+$0xFFFFFFD0]  }
0x37: {  	s13 =	sshrl.u32 s30, $0x2;
	v4 =	vld [tilespmem:s29+$0xFFFFFFE0]  }
0x38: {  	s14 =	sor.u32 $0x8000, s13;
	v5 =	vld [tilespmem:s29+$0xFFFFFFF0]  }
0x39: {  	s31 =	sand.u32 $0x1, s8;
	v1 =	vld [tilespmem:s29+$0x0];
	s15 =	sadd.s32 $0x0, s14  }
0x3a: {  	s13 =	smul.u32 $0x10200, s31;
	v2 =	vld [tilespmem:s29+$0x10];
	[tilespmem:s15+$0x3870 ss:$0x81] =	vst.msk $0xffff, v0  }
0x3b: {  	[tilespmem:s15+$0x810 ss:$0x81] =	vst.msk $0xffff, v3;
	v3 =	vld [tilespmem:s29+$0x20]  }
0x3c: {  	s16 =	sadd.s32 $0x80, s29;
	s13 =	sshrl.u32 s13, $0x2;
	v0 =	vld [tilespmem:s29+$0xFFFFFFC0];
	[tilespmem:s15+$0x1020 ss:$0x81] =	vst.msk $0xffff, v4  }
0x3d: {  	s17 =	simm.s32 $0x4;
	s18 =	simm.s32 $0x8;
	s13 =	sor.u32 $0x8000, s13;
	v4 =	vld [tilespmem:s16+$0x30];
	[tilespmem:s15+$0x1830 ss:$0x81] =	vst.msk $0xffff, v5  }
.LBB1_3:
0x3e: {  	p1 =	sne.s32 s18, $0x1FC;
	v5 =	vld [tilespmem:s16+$0xFFFFFFD0];
	[tilespmem:s15+$0x2040 ss:$0x81] =	vst.msk $0xffff, v1  }
0x3f: {  	v6 =	vld [tilespmem:s16+$0xFFFFFFE0];
	[tilespmem:s15+$0x2850 ss:$0x81] =	vst.msk $0xffff, v2  }
0x40: {  	s19 =	sshra.s32 s17, $0x2;
	s17 =	smov.u32 s18;
	v7 =	vld [tilespmem:s16+$0xFFFFFFF0];
	[tilespmem:s15+$0x3060 ss:$0x81] =	vst.msk $0xffff, v3  }
.Ltmp3:
0x41: {  	v1 =	vld [tilespmem:s16+$0x0];
	[tilespmem:s15+$0x0 ss:$0x81] =	vst.msk $0xffff, v0;
	s15 =	sadd.s32 s19, s14;
	(pc) =	sbr.rel @p1 .LBB1_3-.Ltmp3, $4  }
0x42: {  	v2 =	vld [tilespmem:s16+$0x10];
	[tilespmem:s15+$0x3870 ss:$0x81] =	vst.msk $0xffff, v4  }
0x43: {  	[tilespmem:s15+$0x810 ss:$0x81] =	vst.msk $0xffff, v5;
	v3 =	vld [tilespmem:s16+$0x20]  }
0x44: {  	v0 =	vld [tilespmem:s16+$0xFFFFFFC0];
	[tilespmem:s15+$0x1020 ss:$0x81] =	vst.msk $0xffff, v6;
	s16 =	sadd.s32 $0x80, s16  }
0x45: {  	s18 =	sadd.s32 $0x4, s18;
	v4 =	vld [tilespmem:s16+$0x30];
	[tilespmem:s15+$0x1830 ss:$0x81] =	vst.msk $0xffff, v7  }
0x46: {  	v5 =	vld [tilespmem:s16+$0xFFFFFFD0];
	[tilespmem:s15+$0x2040 ss:$0x81] =	vst.msk $0xffff, v1  }
0x47: {  	v58 =	vld [tilespmem:s16+$0xFFFFFFE0];
	[tilespmem:s15+$0x2850 ss:$0x81] =	vst.msk $0xffff, v2  }
0x48: {  	s17 =	sshra.s32 s17, $0x2;
	v59 =	vld [tilespmem:s16+$0xFFFFFFF0];
	[tilespmem:s15+$0x3060 ss:$0x81] =	vst.msk $0xffff, v3  }
0x49: {  	v60 =	vld [tilespmem:s16+$0x0];
	s14 =	sadd.s32 s17, s14;
	[tilespmem:s15+$0x0 ss:$0x81] =	vst.msk $0xffff, v0  }
0x4a: {  	v61 =	vld [tilespmem:s16+$0x10];
	[tilespmem:s14+$0x3870 ss:$0x81] =	vst.msk $0xffff, v4  }
0x4b: {  	v62 =	vld [tilespmem:s16+$0x20];
	[tilespmem:s14+$0x810 ss:$0x81] =	vst.msk $0xffff, v5  }
0x4c: {  	v63 =	vld [tilespmem:s16+$0xFFFFFFC0];
	[tilespmem:s14+$0x1020 ss:$0x81] =	vst.msk $0xffff, v58  }
0x4d: {  	[tilespmem:s14+$0x1830 ss:$0x81] =	vst.msk $0xffff, v59  }
.Ltmp4:
0x4e: {  	s12 =	sshll.u32 s12, $0x4;
	[tilespmem:s14+$0x2040 ss:$0x81] =	vst.msk $0xffff, v60;
	(pc) =	sbr.rel .LBB1_5-.Ltmp4, $4  }
0x4f: {  	s12 =	sand.u32 $0x1FF0, s12;
	[tilespmem:s14+$0x2850 ss:$0x81] =	vst.msk $0xffff, v61  }
0x50: {  	s11 =	sshll.u32 s11, $0xD;
	s12 =	sadd.s32 s3, s12;
	[tilespmem:s14+$0x3060 ss:$0x81] =	vst.msk $0xffff, v62  }
0x51: {  	s11 =	sadd.s32 s11, s12;
	[tilespmem:s14+$0x0 ss:$0x81] =	vst.msk $0xffff, v63  }
0x52: {  	[hbm4b:s11+s6] =	stream.strided.scatter [tilespmem:s13], [sflag:$0x2], $0x4000, s7, s6, $0x20;
	[tilespmem:$0x10100] =	vst v63  }
.LBB1_6:
0x53: {  	_ =	sfence.sel $0x180000  }
0x54: {  	s2 =	simm.s32 $0x1;
	[bflag:$0x0] =	sbarrier.arrive $0xFFFF  }
0x55: {  	s31 =	simm.s32 $0x2;
	[sflag:s2] =	ssyncpa.u1 $0x1  }
0x56: {  	[sflag:s31] =	ssyncpa.u1 $0x1  }
0x57: {  	p0 =	sne.s32 s1, $0x0;
	_ =	strace $0x9000004A  }
0x58: {  	s0 =	sadd.s32 @!p0 $0x100000, s0;
	[bflag:$0x2] =	sbarrier.arrive $0xFFFF  }
0x59: {  	[sflag:s0] =	ssyncadd.tile.s32 @!p0 $0x1;
	_ =	shalt  }
.Lfunc_end1:
_tile_overlayer_lowered:
.L_overlay_start_2:
0x5a: {  	(tag) =	ssettag $0x2  }
0x5b: {  	s0 =	rddreg [dreg:$0x0];
	s2 =	stileid.u32  }
0x5c: {  	s1 =	rddreg [dreg:$0x1];
	p0 =	sne.s32 s2, $0x0  }
0x5d: {  	s3 =	rddreg [dreg:$0x2];
	[bflag:$0x3] =	sbarrier.arrive $0xFFFF;
	s2 =	simm.s32 @!p0 $0x1C01  }
0x5e: {  	[timem:s3], [sflag:s2] =	dma.local @!p0 [hbm:s0], s1  }
0x5f: {  	s0 =	simm.s32 @!p0 $0x1  }
0x60: {  	_ =	swait.ge @!p0 [sflag:s0], s1  }
0x61: {  	s1 =	ssub.s32 @!p0 $0x0, s1;
	[sflag:s0] =	ssyncset.done @!p0 $0x0  }
0x62: {  	[sflag:s0] =	ssyncadd.s32 @!p0 s1  }
0x63: {  	[bflag:$0x3] =	sbarrier.arrive $0xFFFF  }
0x64: {  	_ =	shalt  }

// kernel: sparse-core-data-format-call.cloned.1.call-start
scs
called_computation_lowered:
.L_overlay_start_0:
0x0: {  	s2 =	sld [smem:$0x3FD9]  }
0x1: {  	s3 =	sld [smem:$0x3FFE];
	_ =	sdelay $0x1  }
0x2: {  	s1 =	srdreg.scid  }
0x3: {  	s0 =	sand.u32 $0x1, s1  }
0x4: {  	s18 =	sshll.u32 s0, $0xA;
	s2 =	sadd.s32 s3, s2  }
0x5: {  	s2 =	sadd.s32 s2, s18  }
0x6: {  	[smem:$0x3FC7] =	sst s2  }
0x7: {  	_ = 	snop  }
0x8: {  	s2 =	sld [smem:$0x3FD0];
	(tm) =	ssettm $0x1  }
0x9: {  	s19 =	sld [smem:$0x3FFB];
	_ =	sdelay $0x3  }
0xa: {  	_ =	strace s19  }
0xb: {  	s3 =	sld [smem:$0x3FFC];
	_ =	sdelay $0x3  }
0xc: {  	_ =	strace s3  }
0xd: {  	s3 =	sld [smem:$0x3FFD];
	_ =	sdelay $0x3  }
0xe: {  	_ =	strace s3  }
0xf: {  	_ =	strace $0x8FFFFFFF  }
0x10: {  	s20 =	sld [smem:$0x3FDB];
	_ =	sdelay $0x1  }
0x11: {  	s4 =	simm.s32 $_scs_section_size  }
0x12: {  	s5 =	simm.s32 $_size__tile_overlayer_lowered;
	s6 =	simm.s32 $_tile_overlayer_lowered  }
0x13: {  	s23 =	simm.s32 $0x1BFF;
	s22 =	sshll.u32 s6, $0x1;
	s3 =	sadd.s32 s4, s20  }
0x14: {  	s7 =	simm.s32 $0x0;
	s21 =	sshll.u32 s5, $0x1;
	s5 =	sadd.s32 s22, s3  }
0x15: {  	[timem:s7], [sflag:s23] =	dma.local [hbm:s5], s21  }
0x16: {  	_ =	swait.ge [sflag:s23], s21  }
0x17: {  	s4 =	ssub.s32 $0x0, s21;
	[sflag:s23] =	ssyncset.done $0x0  }
0x18: {  	[sflag:s23] =	ssyncadd.s32 s4;
	_ =	sdelay $0x1  }
0x19: {  	s24 =	simm.s32 $0x1B8B  }
0x1a: {  	_ =	swait.ge [sflag:s24], $0x1  }
0x1b: {  	[sflag:s24] =	ssyncset.done $0x0  }
0x1c: {  	s26 =	simm.s32 $0x1B8E;
	s25 =	sld [smem:$0x3FFE];
	[sflag:s24] =	ssyncadd.s32 $0xFFFFFFFF  }
0x1d: {  	s27 =	simm.s32 $execute0_lowered;
	[smem:$0x3FD2] =	sst s26  }
0x1e: {  	s5 =	sshll.u32 s27, $0x1;
	_ =	strace $0x8000004C;
	[dreg:$0x1] =	wrdreg $0xFFFFFFFF  }
0x1f: {  	s28 =	simm.s32 $_size_execute0_lowered;
	s3 =	sadd.s32 s3, s5;
	[dreg:$0x0] =	wrdreg $0x0  }
0x20: {  	s5 =	sshll.u32 s28, $0x1;
	[dreg:$0x2] =	wrdreg s3  }
0x21: {  	[dreg:$0x3] =	wrdreg s5  }
0x22: {  	[dreg:$0x4] =	wrdreg $0xC0  }
0x23: {  	_ =	task [dreg:s7], $0x5FFFF  }
0x24: {  	[dreg:$0x1] =	wrdreg $0xFFFFFFFF  }
0x25: {  	[dreg:$0x0] =	wrdreg $0x60  }
0x26: {  	[dreg:$0x2] =	wrdreg s25  }
0x27: {  	[dreg:$0x3] =	wrdreg s2  }
0x28: {  	[dreg:$0x4] =	wrdreg $0x9  }
0x29: {  	_ =	task.clear_ibuf [dreg:s7], $0x5FFFF;
	_ =	strace $0x9000004C  }
0x2a: {  	s29 =	simm.s32 $0x9;
	_ =	strace $0x8000004E  }
0x2b: {  	_ =	swait.ge [sflag:s29], $0x1  }
0x2c: {  	[sflag:s29] =	ssyncadd.s32 $0xFFFFFFFF  }
0x2d: {  	_ =	strace $0x9000004E  }
0x2e: {  	_ =	sfence  }
0x2f: {  	s30 =	sld [smem:$0x0];
	_ =	sdelay $0x2  }
0x30: {  	s31 =	sshll.u32 s1, $0xD;
	s1 =	sshrl.u32 s1, $0x2  }
0x31: {  	s3 =	sand.u32 $0x4000, s31;
	s1 =	sadd.s32 s1, s30  }
0x32: {  	s0 =	sor.u32 s3, s0;
	s1 =	sshll.u32 s1, $0x11  }
0x33: {  	s0 =	sor.u32 s1, s0  }
0x34: {  	s0 =	sadd.s32 $0x8F2B, s0  }
0x35: {  	[sflag:s0] =	ssyncadd.remote.s32 $0x1  }
0x36: {  	_ =	sfence.sel $0xFFFF  }
0x37: {  	[dreg:$0x0] =	wrdreg $0xFFFFFFFF;
	(pc) =	sbr.abs _section_cstart, $3  }
0x38: {  	[dreg:$0x1] =	wrdreg $0xFFFFFFFF  }
0x39: {  	_ =	task.clear_ibuf [dreg:s7], $0x2FFFF;
	_ =	strace $0x9FFFFFFF  }
0x3a: {  	(tm) =	ssettm $0x7FFFFFFF  }
0x3b: {  	_ =	shalt  }
tec
execute0_lowered:
.L_overlay_start_1:
0x0: {  	(tag) =	ssettag $0x1  }
0x1: {  	s0 =	stileid.u32  }
0x2: {  	s1 =	srdreg.scid;
	s7 =	rddreg [dreg:$0x0]  }
0x3: {  	s3 =	rddreg [dreg:$0x1];
	s31 =	simm.s32 $0x2;
	s16 =	simm.s32 $0x0  }
0x4: {  	p0 =	por $0x0, $0x0;
	s9 =	simm.s32 $0x800;
	s15 =	simm.s32 $0x0  }
0x5: {  	s10 =	simm.s32 $0x0;
	s1 =	sshll.u32 s1, $0x4;
	s2 =	sshll.u32 s0, $0x7  }
0x6: {  	s11 =	simm.s32 $0x0;
	s1 =	sand.u32 $0x10, s1;
	s2 =	sand.u32 $0x80, s2  }
0x7: {  	s14 =	simm.s32 $0x0;
	s1 =	sor.u32 s0, s1;
	s5 =	ssub.s32 $0x100, s2  }
0x8: {  	s4 =	sshrl.u32 s1, $0x1;
	s30 =	sshrl.u32 s5, $0x7;
	s5 =	sshrl.u32 s5, $0x8  }
.Ltmp0:
0x9: {  	s6 =	sand.u32 $0x1, s30;
	s8 =	ssub.s32 $0x210, s4;
	(pc) =	sbr.rel .LBB1_1-.Ltmp0, $4  }
0xa: {  	s1 =	rddreg [dreg:$0x2];
	s6 =	sadd.s32 s5, s6;
	s8 =	sshrl.u32 s8, $0x4  }
0xb: {  	_ =	strace $0x8000004D;
	s5 =	simm.s32 $0x1;
	s6 =	smul.u32 s6, s8  }
0xc: {  	s7 =	sadd.s32 $0x1000, s7;
	s13 =	smov.u32 s2;
	[sflag:s5] =	ssyncpa.u1 $0x0  }
0xd: {  	s12 =	smov.u32 s4;
	[sflag:s31] =	ssyncpa.u1 $0x0;
	s8 =	sadd.s32 $0x1, s6  }
.LBB1_4:
0xe: {  	s21 =	sshra.s32 s21, $0x2  }
0xf: {  	s30 =	sshrl.u32 s11, $0x5;
	p1 =	sgt.s32 s10, $0x200;
	s22 =	smov.u32 s10  }
0x10: {  	v5 =	vld [tilespmem:s18+$0xFFFFFFD0];
	[tilespmem:s19+$0x2040 ss:$0x81] =	vst.msk $0xffff, v4;
	s23 =	sshra.s32 s10, $0x1F;
	s25 =	sshra.s32 s11, $0x1F;
	s27 =	smul.u32 $0xC00, s10  }
0x11: {  	v58 =	vld [tilespmem:s18+$0xFFFFFFE0];
	[tilespmem:s19+$0x2850 ss:$0x81] =	vst.msk $0xffff, v3;
	s28 =	sshrl.u32 s11, $0x3;
	s20 =	sadd.s32 s21, s20;
	s21 =	sand.u32 $0xFFFFFC, s30  }
0x12: {  	v59 =	vld [tilespmem:s18+$0xFFFFFFF0];
	[tilespmem:s19+$0x3060 ss:$0x81] =	vst.msk $0xffff, v2;
	s22 =	simm.s32 @!p1 $0x200;
	s23 =	sand.u32 s23, s10;
	p1 =	sgt.s32 s11, $0x80  }
0x13: {  	v60 =	vld [tilespmem:s18+$0x0];
	[tilespmem:s19+$0x0 ss:$0x81] =	vst.msk $0xffff, v1;
	s25 =	sand.u32 s25, s11;
	s22 =	ssub.s32 s22, s23;
	s23 =	smov.u32 s11  }
0x14: {  	v61 =	vld [tilespmem:s18+$0x10];
	s24 =	smulhi.u32 $0x2AAAAAB, s21;
	[tilespmem:s20+$0x3870 ss:$0x81] =	vst.msk $0xffff, v0;
	s31 =	ssub.s32 $0x201, s22;
	s23 =	simm.s32 @!p1 $0x80  }
0x15: {  	v62 =	vld [tilespmem:s18+$0x20];
	s22 =	sadd.s32 $0xFFFFFE00, s22;
	s23 =	ssub.s32 s23, s25;
	s19 =	smul.u32 $0x60, s31;
	[tilespmem:s20+$0x810 ss:$0x81] =	vst.msk $0xffff, v5  }
0x16: {  	v63 =	vld [tilespmem:s18+$0xFFFFFFC0];
	s24 =	smul.u32 $0x60, s24;
	p1 =	sgt.s32 s22, $0x0;
	s26 =	sadd.s32 $0xFFFFFF80, s23;
	[tilespmem:s20+$0x1020 ss:$0x81] =	vst.msk $0xffff, v58  }
0x17: {  	s18 =	ssub.s32 $0x100, s23;
	[tilespmem:s20+$0x1830 ss:$0x81] =	vst.msk $0xffff, v59;
	s19 =	simm.s32 @p1 $0x0;
	p1 =	sgt.s32 s26, $0x7F  }
0x18: {  	s29 =	sand.u32 $0x7, s11;
	s22 =	sadd.s32 s3, s27;
	[tilespmem:s20+$0x2040 ss:$0x81] =	vst.msk $0xffff, v60;
	s18 =	simm.s32 @p1 $0x0  }
0x19: {  	[tilespmem:s20+$0x2850 ss:$0x81] =	vst.msk $0xffff, v61;
	s21 =	ssub.s32 s21, s24;
	s18 =	smul.u32 s18, s19;
	s19 =	sand.u32 $0xF, s28  }
0x1a: {  	s30 =	sshll.u32 s29, $0x12;
	[tilespmem:s20+$0x3060 ss:$0x81] =	vst.msk $0xffff, v62;
	s21 =	sshll.u32 s21, $0x5;
	s19 =	sadd.s32 s19, s22  }
0x1b: {  	s31 =	sor.u32 $0x400, s30;
	[tilespmem:s20+$0x0 ss:$0x81] =	vst.msk $0xffff, v63;
	s18 =	sand.u32 $0x3FFFFFE0, s18;
	s19 =	sadd.s32 s21, s19  }
0x1c: {  	[hbm4b:s19+s31] =	stream.strided.scatter [tilespmem:s17], [sflag:$0x2], s18, s9, s31, $0x20;
	[tilespmem:$0x10100] =	vst v63  }
.LBB1_5:
0x1d: {  	p1 =	slt.u32 s14, $0x2  }
0x1e: {  	s18 =	smov.u32 s16;
	p2 =	sgt.s32 @!p1 s16, $0x200;
	s17 =	sshra.s32 @!p1 s16, $0x1F  }
0x1f: {  	p3 =	sgt.s32 @!p1 s15, $0x80;
	s19 =	sshra.s32 @!p1 s15, $0x1F;
	p2 =	por !p2, p1  }
0x20: {  	s16 =	sand.u32 @!p1 s17, s16;
	p3 =	por !p3, p1;
	s17 =	smov.u32 s15  }
0x21: {  	s15 =	sand.u32 @!p1 s19, s15;
	s18 =	simm.s32 @p2 $0x200;
	s17 =	simm.s32 @p3 $0x80  }
0x22: {  	s19 =	smov.u32 s13;
	s16 =	ssub.s32 @!p1 s18, s16;
	s15 =	ssub.s32 @!p1 s17, s15  }
0x23: {  	s17 =	sadd.s32 @!p1 $0xFFFFFE00, s16;
	s16 =	ssub.s32 @!p1 $0x201, s16;
	s18 =	sadd.s32 @!p1 $0xFFFFFF80, s15  }
0x24: {  	p2 =	sgt.s32 @!p1 s17, $0x0;
	s16 =	smul.u32 @!p1 $0x60, s16;
	p3 =	sgt.s32 @!p1 s18, $0x7F  }
0x25: {  	s15 =	ssub.s32 @!p1 $0x100, s15;
	p2 =	por !p2, p1;
	p3 =	por !p3, p1  }
0x26: {  	s17 =	sadd.s32 $0x10, s12;
	s16 =	simm.s32 @!p2 $0x0;
	s15 =	simm.s32 @!p3 $0x0  }
0x27: {  	p2 =	sgt.s32 s17, $0x200;
	s15 =	smul.u32 @!p1 s15, s16;
	s16 =	sadd.s32 $0x100, s13  }
0x28: {  	s19 =	smov.u32 @p2 s16  }
0x29: {  	s17 =	smov.u32 @p2 s4;
	p2 =	sgt.s32 s19, $0xFF  }
0x2a: {  	s19 =	smov.u32 @p2 s2;
	p2 =	sne.s32 s14, s8  }
.Ltmp1:
0x2b: {  	p0 =	por !p0, !p0;
	s18 =	simm.s32 @!p1 $0x2;
	(pc) =	sbr.rel @!p2 .LBB1_6-.Ltmp1, $4  }
0x2c: {  	s16 =	smov.u32 s10;
	s10 =	smov.u32 s12;
	s15 =	sand.u32 @!p1 $0x3FFFFFE0, s15  }
0x2d: {  	s12 =	smov.u32 s17;
	_ =	swait.ge @!p1 [sflag:s18], s15;
	s20 =	ssub.s32 @!p1 $0x0, s15  }
0x2e: {  	s15 =	smov.u32 s11;
	s14 =	sadd.s32 $0x1, s14;
	[sflag:s18] =	ssyncset.done @!p1 $0x0  }
0x2f: {  	s11 =	smov.u32 s13;
	s13 =	smov.u32 s19;
	[sflag:s18] =	ssyncadd.s32 @!p1 s20  }
.LBB1_1:
0x30: {  	p1 =	sge.u32 s14, s6  }
0x31: {  	s17 =	sand.u32 @!p1 $0x1FFFFFF, s12  }
0x32: {  	s18 =	smulhi.u32 @!p1 $0xFC0FC1, s17;
	_ =	sdelay $0x1  }
0x33: {  	s18 =	sshrl.u32 @!p1 s18, $0x1  }
0x34: {  	s18 =	smul.u32 @!p1 $0x208, s18  }
0x35: {  	s19 =	sxor.u32 @!p1 $0xFFFFFFFF, s14;
	s20 =	smul.u32 @!p1 $0x2080, s13  }
0x36: {  	s31 =	sadd.s32 $0xFFFFFFFF, s14;
	s19 =	sshll.u32 @!p1 s19, $0xE;
	s17 =	ssub.s32 @!p1 s17, s18  }
0x37: {  	s18 =	sand.u32 @!p1 $0x4000, s19;
	s19 =	sadd.s32 @!p1 s7, s20;
	s17 =	sshll.u32 @!p1 s17, $0x4  }
0x38: {  	s20 =	simm.s32 @!p1 $0x10400;
	s17 =	sadd.s32 @!p1 s17, s19;
	s19 =	simm.s32 @!p1 $0x80  }
0x39: {  	[tilespmem:s18], [sflag:$0x1] =	stream.strided.gather @!p1 [hbm4b:s17+s19], $0x4000, s20, s19, $0x38;
	[tilespmem:$0x10100] =	vst v63  }
0x3a: {  	p1 =	sge.u32 s31, s6  }
.Ltmp2:
0x3b: {  	_ = 	snop;
	(pc) =	sbr.rel @p1 .LBB1_5-.Ltmp2, $1  }
0x3c: {  	_ =	sdelay $0x3  }
0x3d: {  	s17 =	simm.s32 $0x1  }
0x3e: {  	_ =	swait.ge [sflag:s5], $0x4000;
	s17 =	simm.s32 @!p0 $0x0  }
0x3f: {  	[sflag:s5] =	ssyncset.done $0x0;
	s18 =	sshll.u32 s17, $0xE  }
0x40: {  	[sflag:s5] =	ssyncadd.s32 $0xFFFFC000;
	s18 =	sor.u32 $0x40, s18  }
0x41: {  	s17 =	smul.u32 $0x10200, s17;
	v0 =	vld [tilespmem:s18+$0x30]  }
0x42: {  	v1 =	vld [tilespmem:s18+$0xFFFFFFD0]  }
0x43: {  	s17 =	sshrl.u32 s17, $0x2;
	v5 =	vld [tilespmem:s18+$0xFFFFFFE0]  }
0x44: {  	v6 =	vld [tilespmem:s18+$0xFFFFFFF0];
	s20 =	sor.u32 $0x8000, s17  }
0x45: {  	s31 =	sand.u32 $0x1, s14;
	v4 =	vld [tilespmem:s18+$0x0];
	s19 =	sadd.s32 $0x0, s20  }
0x46: {  	v3 =	vld [tilespmem:s18+$0x10];
	s17 =	smul.u32 $0x10200, s31;
	[tilespmem:s19+$0x3870 ss:$0x81] =	vst.msk $0xffff, v0  }
0x47: {  	v2 =	vld [tilespmem:s18+$0x20];
	[tilespmem:s19+$0x810 ss:$0x81] =	vst.msk $0xffff, v1  }
0x48: {  	s17 =	sshrl.u32 s17, $0x2;
	v1 =	vld [tilespmem:s18+$0xFFFFFFC0];
	[tilespmem:s19+$0x1020 ss:$0x81] =	vst.msk $0xffff, v5;
	s18 =	sadd.s32 $0x80, s18  }
0x49: {  	s21 =	simm.s32 $0x4;
	s22 =	simm.s32 $0x8;
	s17 =	sor.u32 $0x8000, s17;
	[tilespmem:s19+$0x1830 ss:$0x81] =	vst.msk $0xffff, v6;
	v0 =	vld [tilespmem:s18+$0x30]  }
.LBB1_3:
0x4a: {  	p1 =	sne.s32 s22, $0x1FC;
	v5 =	vld [tilespmem:s18+$0xFFFFFFD0];
	[tilespmem:s19+$0x2040 ss:$0x81] =	vst.msk $0xffff, v4  }
0x4b: {  	v6 =	vld [tilespmem:s18+$0xFFFFFFE0];
	[tilespmem:s19+$0x2850 ss:$0x81] =	vst.msk $0xffff, v3  }
0x4c: {  	s23 =	sshra.s32 s21, $0x2;
	s21 =	smov.u32 s22;
	v7 =	vld [tilespmem:s18+$0xFFFFFFF0];
	[tilespmem:s19+$0x3060 ss:$0x81] =	vst.msk $0xffff, v2  }
.Ltmp3:
0x4d: {  	v4 =	vld [tilespmem:s18+$0x0];
	[tilespmem:s19+$0x0 ss:$0x81] =	vst.msk $0xffff, v1;
	s19 =	sadd.s32 s23, s20;
	(pc) =	sbr.rel @p1 .LBB1_3-.Ltmp3, $4  }
0x4e: {  	v3 =	vld [tilespmem:s18+$0x10];
	[tilespmem:s19+$0x3870 ss:$0x81] =	vst.msk $0xffff, v0  }
0x4f: {  	[tilespmem:s19+$0x810 ss:$0x81] =	vst.msk $0xffff, v5;
	v2 =	vld [tilespmem:s18+$0x20]  }
0x50: {  	v1 =	vld [tilespmem:s18+$0xFFFFFFC0];
	[tilespmem:s19+$0x1020 ss:$0x81] =	vst.msk $0xffff, v6;
	s18 =	sadd.s32 $0x80, s18  }
0x51: {  	s22 =	sadd.s32 $0x4, s22;
	v0 =	vld [tilespmem:s18+$0x30];
	[tilespmem:s19+$0x1830 ss:$0x81] =	vst.msk $0xffff, v7  }
.Ltmp4:
0x52: {  	_ = 	snop;
	(pc) =	sbr.rel .LBB1_4-.Ltmp4, $1  }
0x53: {  	_ =	sdelay $0x3  }
.LBB1_6:
0x54: {  	_ =	sfence.sel $0x180000  }
0x55: {  	s2 =	simm.s32 $0x1;
	[bflag:$0x0] =	sbarrier.arrive $0xFFFF  }
0x56: {  	s31 =	simm.s32 $0x2;
	[sflag:s2] =	ssyncpa.u1 $0x1  }
0x57: {  	[sflag:s31] =	ssyncpa.u1 $0x1  }
0x58: {  	p0 =	sne.s32 s0, $0x0;
	_ =	strace $0x9000004D  }
0x59: {  	s0 =	sadd.s32 @!p0 $0x100000, s1;
	[bflag:$0x2] =	sbarrier.arrive $0xFFFF  }
0x5a: {  	[sflag:s0] =	ssyncadd.tile.s32 @!p0 $0x1;
	_ =	shalt  }
.Lfunc_end1:
_tile_overlayer_lowered:
.L_overlay_start_2:
0x5b: {  	(tag) =	ssettag $0x2  }
0x5c: {  	s0 =	rddreg [dreg:$0x0];
	s2 =	stileid.u32  }
0x5d: {  	s1 =	rddreg [dreg:$0x1];
	p0 =	sne.s32 s2, $0x0  }
0x5e: {  	s3 =	rddreg [dreg:$0x2];
	[bflag:$0x3] =	sbarrier.arrive $0xFFFF;
	s2 =	simm.s32 @!p0 $0x1C01  }
0x5f: {  	[timem:s3], [sflag:s2] =	dma.local @!p0 [hbm:s0], s1  }
0x60: {  	s0 =	simm.s32 @!p0 $0x1  }
0x61: {  	_ =	swait.ge @!p0 [sflag:s0], s1  }
0x62: {  	s1 =	ssub.s32 @!p0 $0x0, s1;
	[sflag:s0] =	ssyncset.done @!p0 $0x0  }
0x63: {  	[sflag:s0] =	ssyncadd.s32 @!p0 s1  }
0x64: {  	[bflag:$0x3] =	sbarrier.arrive $0xFFFF  }
0x65: {  	_ =	shalt  }

</sc_bundles>
